<compile_context>
chip_gen: v7x
topology: tpu7x:2x2x1
jax: 0.10.2.dev20260603
libtpu: 0.0.44.dev20260713+nightly
codegen_flags: <defaults>
</compile_context>

<pallas_src>
import functools

import jax
import jax.numpy as jnp
from jax import lax
from jax.experimental import pallas as pl
from jax.experimental.pallas import tpu as pltpu
from jax.experimental.pallas import tpu_sc as plsc

N = 10000
E = 320000
H = 128

NC = 2
NS = 16
NW = NC * NS

CHUNK = 128
ROUNDS = 80
EDGES_PER_TILE = ROUNDS * CHUNK
EP = NW * EDGES_PER_TILE
ACC_ROWS = 10240
ROWS_PER_TILE = ACC_ROWS // NS
NBUF = 2
SB = 40

_mesh = plsc.VectorSubcoreMesh(core_axis_name="c", subcore_axis_name="s")


@functools.partial(
    pl.kernel,
    out_type=jax.ShapeDtypeStruct((NC * ACC_ROWS, H), jnp.float32),
    mesh=_mesh,
    scratch_types=[
        pltpu.VMEM((SB, CHUNK), jnp.int32),
        pltpu.VMEM((SB, CHUNK), jnp.int32),
        pltpu.VMEM((NBUF, CHUNK, H), jnp.float32),
        pltpu.VMEM_SHARED((ACC_ROWS, H), jnp.float32),
        pltpu.SemaphoreType.DMA,
        pltpu.SemaphoreType.DMA,
        pltpu.SemaphoreType.DMA,
        pltpu.SemaphoreType.DMA,
    ],
)
def _segment_sum_sc(h_hbm, src_hbm, dst_hbm, out_hbm, src_v, dst_v, rows_v, acc_sh,
                    sem0, sem1, sem2, sem3):
    sem = (sem0, sem1, sem2, sem3)[:NBUF]
    c = lax.axis_index("c")
    s = lax.axis_index("s")
    w = c * NS + s

    zero16 = jnp.zeros((16,), jnp.float32)

    def _zero_body(i, carry):
        rows_v[0, i // (H // 16), pl.ds((i % (H // 16)) * 16, 16)] = zero16
        return carry

    lax.fori_loop(0, 80 * (H // 16), _zero_body, 0)

    def _zcopy_body(z, carry):
        pltpu.sync_copy(rows_v.at[0, pl.ds(0, 80)],
                        acc_sh.at[pl.ds(s * ROWS_PER_TILE + z * 80, 80)])
        return carry

    lax.fori_loop(0, ROWS_PER_TILE // 80, _zcopy_body, 0)

    plsc.subcore_barrier()

    def _phase_body(p, carry):
        pltpu.sync_copy(src_hbm.at[pl.ds(w * ROUNDS + p * SB, SB)], src_v)
        pltpu.sync_copy(dst_hbm.at[pl.ds(w * ROUNDS + p * SB, SB)], dst_v)

        for b in range(NBUF):
            pltpu.async_copy(h_hbm.at[src_v.at[b]], rows_v.at[b], sem[b])

        def _round_body(g, carry2):
            for b in range(NBUF):
                r = g * NBUF + b
                pltpu.make_async_copy(h_hbm.at[src_v.at[r]], rows_v.at[b], sem[b]).wait()
                pltpu.sync_copy(rows_v.at[b], acc_sh.at[dst_v.at[r]], add=True)
                nxt = r + NBUF

                @pl.when(nxt < SB)
                def _():
                    pltpu.async_copy(h_hbm.at[src_v.at[nxt]], rows_v.at[b], sem[b])

            return carry2

        lax.fori_loop(0, SB // NBUF, _round_body, 0)
        return carry

    lax.fori_loop(0, ROUNDS // SB, _phase_body, 0)

    plsc.subcore_barrier()

    pltpu.sync_copy(
        acc_sh.at[pl.ds(s * ROWS_PER_TILE, ROWS_PER_TILE)],
        out_hbm.at[pl.ds(c * ACC_ROWS + s * ROWS_PER_TILE, ROWS_PER_TILE)],
    )


ROW_BLK = 2000
GRID = N // ROW_BLK


def _in_proj_body(x_ref, w_ref, b_ref, o_ref):
    o_ref[...] = jnp.maximum(
        jnp.dot(x_ref[...], w_ref[...], preferred_element_type=jnp.float32)
        + b_ref[...],
        0.0,
    )


def _in_proj(x_pad, w_pad, b):
    return pl.pallas_call(
        _in_proj_body,
        grid=(GRID,),
        in_specs=[
            pl.BlockSpec((ROW_BLK, 8), lambda i: (i, 0)),
            pl.BlockSpec((8, H), lambda i: (0, 0)),
            pl.BlockSpec((1, H), lambda i: (0, 0)),
        ],
        out_specs=pl.BlockSpec((ROW_BLK, H), lambda i: (i, 0)),
        out_shape=jax.ShapeDtypeStruct((N, H), jnp.float32),
    )(x_pad, w_pad, b)


def _layer_body(p_ref, h_ref, wrel_ref, wroot_ref, b_ref, o_ref):
    a = p_ref[0] + p_ref[1]
    o_ref[...] = jnp.maximum(
        jnp.dot(a, wrel_ref[...], preferred_element_type=jnp.float32)
        + jnp.dot(h_ref[...], wroot_ref[...], preferred_element_type=jnp.float32)
        + b_ref[...],
        0.0,
    )


def _layer(partials, h, wrel, wroot, b):
    return pl.pallas_call(
        _layer_body,
        grid=(GRID,),
        in_specs=[
            pl.BlockSpec((2, ROW_BLK, H), lambda i: (0, i, 0)),
            pl.BlockSpec((ROW_BLK, H), lambda i: (i, 0)),
            pl.BlockSpec((H, H), lambda i: (0, 0)),
            pl.BlockSpec((H, H), lambda i: (0, 0)),
            pl.BlockSpec((1, H), lambda i: (0, 0)),
        ],
        out_specs=pl.BlockSpec((ROW_BLK, H), lambda i: (i, 0)),
        out_shape=jax.ShapeDtypeStruct((N, H), jnp.float32),
    )(partials, h, wrel, wroot, b)


def _head_body(h_ref, w1_ref, b1_ref, w2_ref, b2_ref, o_ref):
    z = jnp.maximum(
        jnp.dot(h_ref[...], w1_ref[...], preferred_element_type=jnp.float32)
        + b1_ref[...],
        0.0,
    )
    o_ref[...] = jax.nn.sigmoid(
        jnp.dot(z, w2_ref[...], preferred_element_type=jnp.float32) + b2_ref[...]
    )


def _head(h, w1, b1, w2, b2):
    return pl.pallas_call(
        _head_body,
        grid=(GRID,),
        in_specs=[
            pl.BlockSpec((ROW_BLK, H), lambda i: (i, 0)),
            pl.BlockSpec((H, H // 2), lambda i: (0, 0)),
            pl.BlockSpec((1, H // 2), lambda i: (0, 0)),
            pl.BlockSpec((H // 2, 1), lambda i: (0, 0)),
            pl.BlockSpec((1, 1), lambda i: (0, 0)),
        ],
        out_specs=pl.BlockSpec((ROW_BLK, 1), lambda i: (i, 0)),
        out_shape=jax.ShapeDtypeStruct((N, 1), jnp.float32),
    )(h, w1, b1, w2, b2)


def kernel(x, edge_index, W_in, b_in, Wrel0, brel0, Wroot0, Wrel1, brel1, Wroot1,
           Wrel2, brel2, Wroot2, Wh1, bh1, Wh2, bh2):
    pad = EP - E
    src_p = jnp.concatenate([edge_index[0], jnp.zeros((pad,), jnp.int32)])
    dst_p = jnp.concatenate(
        [edge_index[1],
         N + (jnp.arange(pad, dtype=jnp.int32) % (ACC_ROWS - N))]
    )
    src2d = src_p.reshape(NW * ROUNDS, CHUNK)
    dst2d = dst_p.reshape(NW * ROUNDS, CHUNK)

    x_pad = jnp.pad(x, ((0, 0), (0, 2)))
    w_pad = jnp.pad(W_in, ((0, 2), (0, 0)))

    h = _in_proj(x_pad, w_pad, b_in.reshape(1, H))
    attention_weights = h

    for wrel, brel, wroot in ((Wrel0, brel0, Wroot0), (Wrel1, brel1, Wroot1),
                              (Wrel2, brel2, Wroot2)):
        partials = _segment_sum_sc(h, src2d, dst2d).reshape(2, ACC_ROWS, H)
        h = _layer(partials, h, wrel, wroot, brel.reshape(1, H))

    scores = _head(h, Wh1, bh1.reshape(1, H // 2), Wh2, bh2.reshape(1, 1))
    return (scores, attention_weights)

# --- scband reference (transcript-rebuilt; emitter-appended) ---
"""Pipeline reference for scband-spatio-temporal-gcn-42769284333614 (READ-ONLY COPY).

The authoritative reference and input builder live on the scoring server;
editing this copy changes nothing except your own understanding.
"""

import jax, jax.numpy as jnp
import numpy as np

N = 10000
E = 320000
D_IN = 6
H = 128


def setup_inputs(seed: int = 0) -> dict:
    key = jax.random.key(seed)
    ks = jax.random.split(key, 20)
    s = 0.05
    inp = {}
    inp['x'] = jax.random.normal(ks[0], (N, D_IN), dtype=jnp.float32)
    inp['edge_index'] = jax.random.randint(ks[1], (2, E), 0, N, dtype=jnp.int32)
    # input projection
    inp['W_in'] = jax.random.normal(ks[2], (D_IN, H), dtype=jnp.float32) * s
    inp['b_in'] = jnp.zeros((H,), dtype=jnp.float32)
    # 3 GraphConv layers (PyG-style: out = lin_rel(sum_j x_j) + lin_root(x))
    for i in range(3):
        inp[f'Wrel{i}'] = jax.random.normal(ks[3 + 3 * i], (H, H), dtype=jnp.float32) * s
        inp[f'brel{i}'] = jnp.zeros((H,), dtype=jnp.float32)
        inp[f'Wroot{i}'] = jax.random.normal(ks[4 + 3 * i], (H, H), dtype=jnp.float32) * s
    # anomaly head: Linear(H, H//2) -> ReLU -> Linear(H//2, 1) -> Sigmoid
    inp['Wh1'] = jax.random.normal(ks[13], (H, H // 2), dtype=jnp.float32) * s
    inp['bh1'] = jnp.zeros((H // 2,), dtype=jnp.float32)
    inp['Wh2'] = jax.random.normal(ks[14], (H // 2, 1), dtype=jnp.float32) * s
    inp['bh2'] = jnp.zeros((1,), dtype=jnp.float32)
    return inp


def reference(x, edge_index, W_in, b_in, Wrel0, brel0, Wroot0, Wrel1, brel1, Wroot1, Wrel2, brel2, Wroot2, Wh1, bh1, Wh2, bh2):
    h = jax.nn.relu(x @ W_in + b_in)
    attention_weights = h
    src = edge_index[0]
    dst = edge_index[1]
    for Wrel, brel, Wroot in ((Wrel0, brel0, Wroot0), (Wrel1, brel1, Wroot1), (Wrel2, brel2, Wroot2)):
        msgs = jnp.take(h, src, axis=0)
        agg = jax.ops.segment_sum(msgs, dst, num_segments=h.shape[0])
        h = agg @ Wrel + brel + h @ Wroot
        h = jax.nn.relu(h)
        # dropout is identity in eval mode
    z = jax.nn.relu(h @ Wh1 + bh1)
    anomaly_scores = jax.nn.sigmoid(z @ Wh2 + bh2)
    return (anomaly_scores, attention_weights)

if __name__ == "__main__":
    import jax
    _d = setup_inputs()
    print(jax.jit(kernel)(*tuple(_d.values())))

</pallas_src>

<mosaic_0001>
#map = affine_map<(d0, d1) -> (0, 0)>
module attributes {stable_mosaic.version = 14 : i64} {
  func.func @_segment_sum_sc(%arg0: i32, %arg1: i32, %arg2: memref<10000x128xf32, #tpu.memory_space<hbm>>, %arg3: memref<2560x128xi32, #tpu.memory_space<hbm>>, %arg4: memref<2560x128xi32, #tpu.memory_space<hbm>>, %arg5: memref<20480x128xf32, #tpu.memory_space<hbm>>, %arg6: memref<40x128xi32, #tpu.memory_space<vmem>>, %arg7: memref<40x128xi32, #tpu.memory_space<vmem>>, %arg8: memref<2x128x128xf32, #tpu.memory_space<vmem>>, %arg9: memref<10240x128xf32, #tpu.memory_space<vmem_shared>>, %arg10: memref<!tpu.dma_semaphore, #tpu.memory_space<semaphore_mem>>, %arg11: memref<!tpu.dma_semaphore, #tpu.memory_space<semaphore_mem>>, %arg12: memref<!tpu.dma_semaphore, #tpu.memory_space<semaphore_mem>>, %arg13: memref<!tpu.dma_semaphore, #tpu.memory_space<semaphore_mem>>) attributes {dimension_semantics = [#tpu.dimension_semantics<core_parallel>, #tpu.dimension_semantics<subcore_parallel>], iteration_bounds = array<i64: 2, 16>, scalar_prefetch = 0 : i64, scratch_operands = 8 : i64, tpu.core_type = #tpu.core_type<sc_vector_subcore>, window_params = [{transform_indices = #map}, {transform_indices = #map}, {transform_indices = #map}, {transform_indices = #map}]} {
    %mul3A = arith.constant 16 : i32
    %mul3A_0 = arith.muli %arg0, %mul3A : i32
    %add3A = arith.addi %mul3A_0, %arg1 : i32
    %broadcast_in_dim3A = arith.constant 0.000000e+00 : f32
    %broadcast_in_dim3A_1 = vector.broadcast %broadcast_in_dim3A : f32 to vector<16xf32>
    %scan3A = arith.constant 0 : i32
    %scan3A_2 = arith.constant 0 : i32
    %scan3A_3 = arith.constant 640 : i32
    %scan3A_4 = arith.addi %scan3A_2, %scan3A_3 : i32
    %scan3A_5 = arith.constant 1 : i32
    scf.for %scan3A_27 = %scan3A_2 to %scan3A_4 step %scan3A_5  : i32 {
      %jit3A = arith.constant 8 : i32
      %div3A = arith.divsi %scan3A_27, %jit3A : i32
      %sign3A = arith.constant 0 : i32
      %sign3A_28 = arith.cmpi sgt, %scan3A_27, %sign3A : i32
      %sign3A_29 = arith.extui %sign3A_28 : i1 to i32
      %sign3A_30 = arith.constant 0 : i32
      %sign3A_31 = arith.cmpi slt, %scan3A_27, %sign3A_30 : i32
      %sign3A_32 = arith.extui %sign3A_31 : i1 to i32
      %sign3A_33 = arith.subi %sign3A_29, %sign3A_32 : i32
      %sign3A_34 = arith.constant 0 : i32
      %sign3A_35 = arith.cmpi sgt, %jit3A, %sign3A_34 : i32
      %sign3A_36 = arith.extui %sign3A_35 : i1 to i32
      %sign3A_37 = arith.constant 0 : i32
      %sign3A_38 = arith.cmpi slt, %jit3A, %sign3A_37 : i32
      %sign3A_39 = arith.extui %sign3A_38 : i1 to i32
      %sign3A_40 = arith.subi %sign3A_36, %sign3A_39 : i32
      %ne3A = arith.cmpi ne, %sign3A_33, %sign3A_40 : i32
      %rem3A = arith.remsi %scan3A_27, %jit3A : i32
      %ne3A_41 = arith.constant 0 : i32
      %ne3A_42 = arith.cmpi ne, %rem3A, %ne3A_41 : i32
      %and3A = arith.andi %ne3A, %ne3A_42 : i1
      %sub3A = arith.constant 1 : i32
      %sub3A_43 = arith.subi %div3A, %sub3A : i32
      %select_n3A = arith.select %and3A, %sub3A_43, %div3A : i32
      %jit3A_44 = arith.constant 8 : i32
      %eq3A = arith.constant 0 : i32
      %eq3A_45 = arith.cmpi eq, %jit3A_44, %eq3A : i32
      %jit3A_46 = arith.constant 1 : i32
      %select_n3A_47 = arith.select %eq3A_45, %jit3A_46, %jit3A_44 : i32
      %rem3A_48 = arith.remsi %scan3A_27, %select_n3A_47 : i32
      %ne3A_49 = arith.constant 0 : i32
      %ne3A_50 = arith.cmpi ne, %rem3A_48, %ne3A_49 : i32
      %lt3A = arith.constant 0 : i32
      %lt3A_51 = arith.cmpi slt, %rem3A_48, %lt3A : i32
      %lt3A_52 = arith.constant 0 : i32
      %lt3A_53 = arith.cmpi slt, %select_n3A_47, %lt3A_52 : i32
      %ne3A_54 = arith.xori %lt3A_51, %lt3A_53 : i1
      %and3A_55 = arith.andi %ne3A_54, %ne3A_50 : i1
      %add3A_56 = arith.addi %rem3A_48, %select_n3A_47 : i32
      %select_n3A_57 = arith.select %and3A_55, %add3A_56, %rem3A_48 : i32
      %mul3A_58 = arith.constant 16 : i32
      %mul3A_59 = arith.muli %select_n3A_57, %mul3A_58 : i32
      %swap3A = arith.constant 0 : i32
      %swap3A_60 = arith.index_cast %swap3A : i32 to index
      %swap3A_61 = arith.index_cast %select_n3A : i32 to index
      %swap3A_62 = arith.index_cast %mul3A_59 : i32 to index
      %swap3A_63 = tpu.vector_load %arg8[%swap3A_60, %swap3A_61, %swap3A_62] {strides = array<i32>} : memref<2x128x128xf32, #tpu.memory_space<vmem>>, vector<1x1x16xf32>,
      %swap3A_64 = vector.shape_cast %swap3A_63 : vector<1x1x16xf32> to vector<16xf32>
      %swap3A_65 = vector.shape_cast %broadcast_in_dim3A_1 : vector<16xf32> to vector<1x1x16xf32>
      tpu.vector_store %arg8[%swap3A_60, %swap3A_61, %swap3A_62], %swap3A_65 {strides = array<i32>} : memref<2x128x128xf32, #tpu.memory_space<vmem>>, vector<1x1x16xf32>,
    }
    %scan3A_6 = arith.constant 640 : i32
    %scan3A_7 = arith.constant 0 : i32
    %scan3A_8 = arith.constant 0 : i32
    %scan3A_9 = arith.constant 8 : i32
    %scan3A_10 = arith.addi %scan3A_8, %scan3A_9 : i32
    %scan3A_11 = arith.constant 1 : i32
    scf.for %scan3A_27 = %scan3A_8 to %scan3A_10 step %scan3A_11  : i32 {
      %mul3A_28 = arith.constant 640 : i32
      %mul3A_29 = arith.muli %arg1, %mul3A_28 : i32
      %mul3A_30 = arith.constant 80 : i32
      %mul3A_31 = arith.muli %scan3A_27, %mul3A_30 : i32
      %add3A_32 = arith.addi %mul3A_29, %mul3A_31 : i32
      %run_scoped3A = arith.constant 0 : i32
      "tpu.region"() ({
        %run_scoped3A_33 = tpu.sem_alloc : memref<!tpu.dma_semaphore, #tpu.memory_space<semaphore_mem>>
        %dma_start3A = arith.constant 0 : i32
        %dma_start3A_34 = arith.constant 0 : i32
        %dma_start3A_35 = tpu.memref_slice %arg8[%run_scoped3A, %dma_start3A, %dma_start3A_34] : memref<2x128x128xf32, #tpu.memory_space<vmem>> -> memref<1x80x128xf32, #tpu.memory_space<vmem>>
        %dma_start3A_36 = tpu.memref_squeeze %dma_start3A_35 : memref<1x80x128xf32, #tpu.memory_space<vmem>> -> memref<80x128xf32, #tpu.memory_space<vmem>>
        %dma_start3A_37 = arith.constant 0 : i32
        %dma_start3A_38 = tpu.memref_slice %arg9[%add3A_32, %dma_start3A_37] : memref<10240x128xf32, #tpu.memory_space<vmem_shared>> -> memref<80x128xf32, #tpu.memory_space<vmem_shared>>
        %dma_start3A_39 = arith.constant 0 : i32
        %dma_start3A_40 = tpu.memref_slice %arg9[%add3A_32, %dma_start3A_39] : memref<10240x128xf32, #tpu.memory_space<vmem_shared>> -> memref<80x128xf32, #tpu.memory_space<vmem_shared>>
        %dma_start3A_41 = arith.constant 0 : i32
        %dma_start3A_42 = arith.constant 0 : i32
        %dma_start3A_43 = tpu.memref_slice %arg8[%run_scoped3A, %dma_start3A_41, %dma_start3A_42] : memref<2x128x128xf32, #tpu.memory_space<vmem>> -> memref<1x80x128xf32, #tpu.memory_space<vmem>>
        %dma_start3A_44 = tpu.memref_squeeze %dma_start3A_43 : memref<1x80x128xf32, #tpu.memory_space<vmem>> -> memref<80x128xf32, #tpu.memory_space<vmem>>
        tpu.enqueue_dma source(%dma_start3A_44 : memref<80x128xf32, #tpu.memory_space<vmem>>) target(%dma_start3A_40 : memref<80x128xf32, #tpu.memory_space<vmem_shared>>) target_semaphore(%run_scoped3A_33 : memref<!tpu.dma_semaphore, #tpu.memory_space<semaphore_mem>>)
        %dma_wait3A = arith.constant 0 : i32
        %dma_wait3A_45 = arith.constant 0 : i32
        %dma_wait3A_46 = tpu.memref_slice %arg8[%run_scoped3A, %dma_wait3A, %dma_wait3A_45] : memref<2x128x128xf32, #tpu.memory_space<vmem>> -> memref<1x80x128xf32, #tpu.memory_space<vmem>>
        %dma_wait3A_47 = tpu.memref_squeeze %dma_wait3A_46 : memref<1x80x128xf32, #tpu.memory_space<vmem>> -> memref<80x128xf32, #tpu.memory_space<vmem>>
        %dma_wait3A_48 = arith.constant 0 : i32
        %dma_wait3A_49 = tpu.memref_slice %arg9[%add3A_32, %dma_wait3A_48] : memref<10240x128xf32, #tpu.memory_space<vmem_shared>> -> memref<80x128xf32, #tpu.memory_space<vmem_shared>>
        %dma_wait3A_50 = arith.constant 0 : i32
        %dma_wait3A_51 = tpu.memref_slice %arg9[%add3A_32, %dma_wait3A_50] : memref<10240x128xf32, #tpu.memory_space<vmem_shared>> -> memref<80x128xf32, #tpu.memory_space<vmem_shared>>
        %dma_wait3A_52 = arith.constant 0 : i32
        %dma_wait3A_53 = arith.constant 0 : i32
        %dma_wait3A_54 = tpu.memref_slice %arg8[%run_scoped3A, %dma_wait3A_52, %dma_wait3A_53] : memref<2x128x128xf32, #tpu.memory_space<vmem>> -> memref<1x80x128xf32, #tpu.memory_space<vmem>>
        %dma_wait3A_55 = tpu.memref_squeeze %dma_wait3A_54 : memref<1x80x128xf32, #tpu.memory_space<vmem>> -> memref<80x128xf32, #tpu.memory_space<vmem>>
        tpu.wait_dma2 semaphore(%run_scoped3A_33 : memref<!tpu.dma_semaphore, #tpu.memory_space<semaphore_mem>>) src(%dma_wait3A_55 : memref<80x128xf32, #tpu.memory_space<vmem>>) dst(%dma_wait3A_51 : memref<80x128xf32, #tpu.memory_space<vmem_shared>>)
        tpu.yield
      }) : () -> ()
    }
    %scan3A_12 = arith.constant 8 : i32
    %barrier3A = arith.constant 0 : index
    tpu.barrier barrier_id(%barrier3A)
    %scan3A_13 = arith.constant 0 : i32
    %scan3A_14 = arith.constant 0 : i32
    %scan3A_15 = arith.constant 2 : i32
    %scan3A_16 = arith.addi %scan3A_14, %scan3A_15 : i32
    %scan3A_17 = arith.constant 1 : i32
    scf.for %scan3A_27 = %scan3A_14 to %scan3A_16 step %scan3A_17  : i32 {
      %mul3A_28 = arith.constant 80 : i32
      %mul3A_29 = arith.muli %add3A, %mul3A_28 : i32
      %mul3A_30 = arith.constant 40 : i32
      %mul3A_31 = arith.muli %scan3A_27, %mul3A_30 : i32
      %add3A_32 = arith.addi %mul3A_29, %mul3A_31 : i32
      "tpu.region"() ({
        %run_scoped3A = tpu.sem_alloc : memref<!tpu.dma_semaphore, #tpu.memory_space<semaphore_mem>>
        %dma_start3A_67 = arith.constant 0 : i32
        %dma_start3A_68 = tpu.memref_slice %arg3[%add3A_32, %dma_start3A_67] : memref<2560x128xi32, #tpu.memory_space<hbm>> -> memref<40x128xi32, #tpu.memory_space<hbm>>
        %dma_start3A_69 = arith.constant 0 : i32
        %dma_start3A_70 = tpu.memref_slice %arg3[%add3A_32, %dma_start3A_69] : memref<2560x128xi32, #tpu.memory_space<hbm>> -> memref<40x128xi32, #tpu.memory_space<hbm>>
        tpu.enqueue_dma source(%dma_start3A_70 : memref<40x128xi32, #tpu.memory_space<hbm>>) target(%arg6 : memref<40x128xi32, #tpu.memory_space<vmem>>) target_semaphore(%run_scoped3A : memref<!tpu.dma_semaphore, #tpu.memory_space<semaphore_mem>>)
        %dma_wait3A = arith.constant 0 : i32
        %dma_wait3A_71 = tpu.memref_slice %arg3[%add3A_32, %dma_wait3A] : memref<2560x128xi32, #tpu.memory_space<hbm>> -> memref<40x128xi32, #tpu.memory_space<hbm>>
        %dma_wait3A_72 = arith.constant 0 : i32
        %dma_wait3A_73 = tpu.memref_slice %arg3[%add3A_32, %dma_wait3A_72] : memref<2560x128xi32, #tpu.memory_space<hbm>> -> memref<40x128xi32, #tpu.memory_space<hbm>>
        tpu.wait_dma2 semaphore(%run_scoped3A : memref<!tpu.dma_semaphore, #tpu.memory_space<semaphore_mem>>) src(%dma_wait3A_73 : memref<40x128xi32, #tpu.memory_space<hbm>>) dst(%arg6 : memref<40x128xi32, #tpu.memory_space<vmem>>)
        tpu.yield
      }) : () -> ()
      %mul3A_33 = arith.constant 80 : i32
      %mul3A_34 = arith.muli %add3A, %mul3A_33 : i32
      %mul3A_35 = arith.constant 40 : i32
      %mul3A_36 = arith.muli %scan3A_27, %mul3A_35 : i32
      %add3A_37 = arith.addi %mul3A_34, %mul3A_36 : i32
      "tpu.region"() ({
        %run_scoped3A = tpu.sem_alloc : memref<!tpu.dma_semaphore, #tpu.memory_space<semaphore_mem>>
        %dma_start3A_67 = arith.constant 0 : i32
        %dma_start3A_68 = tpu.memref_slice %arg4[%add3A_37, %dma_start3A_67] : memref<2560x128xi32, #tpu.memory_space<hbm>> -> memref<40x128xi32, #tpu.memory_space<hbm>>
        %dma_start3A_69 = arith.constant 0 : i32
        %dma_start3A_70 = tpu.memref_slice %arg4[%add3A_37, %dma_start3A_69] : memref<2560x128xi32, #tpu.memory_space<hbm>> -> memref<40x128xi32, #tpu.memory_space<hbm>>
        tpu.enqueue_dma source(%dma_start3A_70 : memref<40x128xi32, #tpu.memory_space<hbm>>) target(%arg7 : memref<40x128xi32, #tpu.memory_space<vmem>>) target_semaphore(%run_scoped3A : memref<!tpu.dma_semaphore, #tpu.memory_space<semaphore_mem>>)
        %dma_wait3A = arith.constant 0 : i32
        %dma_wait3A_71 = tpu.memref_slice %arg4[%add3A_37, %dma_wait3A] : memref<2560x128xi32, #tpu.memory_space<hbm>> -> memref<40x128xi32, #tpu.memory_space<hbm>>
        %dma_wait3A_72 = arith.constant 0 : i32
        %dma_wait3A_73 = tpu.memref_slice %arg4[%add3A_37, %dma_wait3A_72] : memref<2560x128xi32, #tpu.memory_space<hbm>> -> memref<40x128xi32, #tpu.memory_space<hbm>>
        tpu.wait_dma2 semaphore(%run_scoped3A : memref<!tpu.dma_semaphore, #tpu.memory_space<semaphore_mem>>) src(%dma_wait3A_73 : memref<40x128xi32, #tpu.memory_space<hbm>>) dst(%arg7 : memref<40x128xi32, #tpu.memory_space<vmem>>)
        tpu.yield
      }) : () -> ()
      %dma_start3A = arith.constant 0 : i32
      %dma_start3A_38 = arith.constant 0 : i32
      %dma_start3A_39 = arith.constant 0 : i32
      %dma_start3A_40 = arith.constant 0 : i32
      %dma_start3A_41 = tpu.memref_slice %arg8[%dma_start3A_38, %dma_start3A_39, %dma_start3A_40] : memref<2x128x128xf32, #tpu.memory_space<vmem>> -> memref<1x128x128xf32, #tpu.memory_space<vmem>>
      %dma_start3A_42 = tpu.memref_squeeze %dma_start3A_41 : memref<1x128x128xf32, #tpu.memory_space<vmem>> -> memref<128x128xf32, #tpu.memory_space<vmem>>
      %dma_start3A_43 = arith.constant 0 : i32
      %dma_start3A_44 = tpu.memref_slice %arg6[%dma_start3A, %dma_start3A_43] : memref<40x128xi32, #tpu.memory_space<vmem>> -> memref<1x128xi32, #tpu.memory_space<vmem>>
      %dma_start3A_45 = tpu.memref_squeeze %dma_start3A_44 : memref<1x128xi32, #tpu.memory_space<vmem>> -> memref<128xi32, #tpu.memory_space<vmem>>
      %dma_start3A_46 = arith.constant 0 : i32
      %dma_start3A_47 = arith.constant 0 : i32
      %dma_start3A_48 = tpu.memref_slice %arg2[%dma_start3A_46, %dma_start3A_47] : memref<10000x128xf32, #tpu.memory_space<hbm>> -> memref<10000x128xf32, #tpu.memory_space<hbm>>
      tpu.enqueue_indirect_dma source(%dma_start3A_48 : memref<10000x128xf32, #tpu.memory_space<hbm>>) target(%dma_start3A_42 : memref<128x128xf32, #tpu.memory_space<vmem>>) offsets(%dma_start3A_45 : memref<128xi32, #tpu.memory_space<vmem>>) semaphore(%arg10 : memref<!tpu.dma_semaphore, #tpu.memory_space<semaphore_mem>>)
      %dma_start3A_49 = arith.constant 1 : i32
      %dma_start3A_50 = arith.constant 1 : i32
      %dma_start3A_51 = arith.constant 0 : i32
      %dma_start3A_52 = arith.constant 0 : i32
      %dma_start3A_53 = tpu.memref_slice %arg8[%dma_start3A_50, %dma_start3A_51, %dma_start3A_52] : memref<2x128x128xf32, #tpu.memory_space<vmem>> -> memref<1x128x128xf32, #tpu.memory_space<vmem>>
      %dma_start3A_54 = tpu.memref_squeeze %dma_start3A_53 : memref<1x128x128xf32, #tpu.memory_space<vmem>> -> memref<128x128xf32, #tpu.memory_space<vmem>>
      %dma_start3A_55 = arith.constant 0 : i32
      %dma_start3A_56 = tpu.memref_slice %arg6[%dma_start3A_49, %dma_start3A_55] : memref<40x128xi32, #tpu.memory_space<vmem>> -> memref<1x128xi32, #tpu.memory_space<vmem>>
      %dma_start3A_57 = tpu.memref_squeeze %dma_start3A_56 : memref<1x128xi32, #tpu.memory_space<vmem>> -> memref<128xi32, #tpu.memory_space<vmem>>
      %dma_start3A_58 = arith.constant 0 : i32
      %dma_start3A_59 = arith.constant 0 : i32
      %dma_start3A_60 = tpu.memref_slice %arg2[%dma_start3A_58, %dma_start3A_59] : memref<10000x128xf32, #tpu.memory_space<hbm>> -> memref<10000x128xf32, #tpu.memory_space<hbm>>
      tpu.enqueue_indirect_dma source(%dma_start3A_60 : memref<10000x128xf32, #tpu.memory_space<hbm>>) target(%dma_start3A_54 : memref<128x128xf32, #tpu.memory_space<vmem>>) offsets(%dma_start3A_57 : memref<128xi32, #tpu.memory_space<vmem>>) semaphore(%arg11 : memref<!tpu.dma_semaphore, #tpu.memory_space<semaphore_mem>>)
      %scan3A_61 = arith.constant 0 : i32
      %scan3A_62 = arith.constant 0 : i32
      %scan3A_63 = arith.constant 20 : i32
      %scan3A_64 = arith.addi %scan3A_62, %scan3A_63 : i32
      %scan3A_65 = arith.constant 1 : i32
      scf.for %scan3A_67 = %scan3A_62 to %scan3A_64 step %scan3A_65  : i32 {
        %mul3A_68 = arith.constant 2 : i32
        %mul3A_69 = arith.muli %scan3A_67, %mul3A_68 : i32
        %add3A_70 = arith.constant 0 : i32
        %add3A_71 = arith.addi %mul3A_69, %add3A_70 : i32
        %dma_wait3A = arith.constant 0 : i32
        %dma_wait3A_72 = arith.constant 0 : i32
        %dma_wait3A_73 = arith.constant 0 : i32
        %dma_wait3A_74 = tpu.memref_slice %arg8[%dma_wait3A, %dma_wait3A_72, %dma_wait3A_73] : memref<2x128x128xf32, #tpu.memory_space<vmem>> -> memref<1x128x128xf32, #tpu.memory_space<vmem>>
        %dma_wait3A_75 = tpu.memref_squeeze %dma_wait3A_74 : memref<1x128x128xf32, #tpu.memory_space<vmem>> -> memref<128x128xf32, #tpu.memory_space<vmem>>
        %dma_wait3A_76 = arith.constant 0 : i32
        %dma_wait3A_77 = tpu.memref_slice %arg6[%add3A_71, %dma_wait3A_76] : memref<40x128xi32, #tpu.memory_space<vmem>> -> memref<1x128xi32, #tpu.memory_space<vmem>>
        %dma_wait3A_78 = tpu.memref_squeeze %dma_wait3A_77 : memref<1x128xi32, #tpu.memory_space<vmem>> -> memref<128xi32, #tpu.memory_space<vmem>>
        %dma_wait3A_79 = arith.constant 0 : i32
        %dma_wait3A_80 = arith.constant 0 : i32
        %dma_wait3A_81 = tpu.memref_slice %arg2[%dma_wait3A_79, %dma_wait3A_80] : memref<10000x128xf32, #tpu.memory_space<hbm>> -> memref<10000x128xf32, #tpu.memory_space<hbm>>
        tpu.wait_indirect_dma semaphore(%arg10 : memref<!tpu.dma_semaphore, #tpu.memory_space<semaphore_mem>>) src(%dma_wait3A_81 : memref<10000x128xf32, #tpu.memory_space<hbm>>) dst(%dma_wait3A_75 : memref<128x128xf32, #tpu.memory_space<vmem>>)
        %run_scoped3A = arith.constant 0 : i32
        "tpu.region"() ({
          %run_scoped3A_109 = tpu.sem_alloc : memref<!tpu.dma_semaphore, #tpu.memory_space<semaphore_mem>>
          %dma_start3A_110 = arith.constant 0 : i32
          %dma_start3A_111 = arith.constant 0 : i32
          %dma_start3A_112 = tpu.memref_slice %arg8[%run_scoped3A, %dma_start3A_110, %dma_start3A_111] : memref<2x128x128xf32, #tpu.memory_space<vmem>> -> memref<1x128x128xf32, #tpu.memory_space<vmem>>
          %dma_start3A_113 = tpu.memref_squeeze %dma_start3A_112 : memref<1x128x128xf32, #tpu.memory_space<vmem>> -> memref<128x128xf32, #tpu.memory_space<vmem>>
          %dma_start3A_114 = arith.constant 0 : i32
          %dma_start3A_115 = tpu.memref_slice %arg7[%add3A_71, %dma_start3A_114] : memref<40x128xi32, #tpu.memory_space<vmem>> -> memref<1x128xi32, #tpu.memory_space<vmem>>
          %dma_start3A_116 = tpu.memref_squeeze %dma_start3A_115 : memref<1x128xi32, #tpu.memory_space<vmem>> -> memref<128xi32, #tpu.memory_space<vmem>>
          %dma_start3A_117 = arith.constant 0 : i32
          %dma_start3A_118 = arith.constant 0 : i32
          %dma_start3A_119 = tpu.memref_slice %arg9[%dma_start3A_117, %dma_start3A_118] : memref<10240x128xf32, #tpu.memory_space<vmem_shared>> -> memref<10240x128xf32, #tpu.memory_space<vmem_shared>>
          tpu.enqueue_indirect_dma source(%dma_start3A_113 : memref<128x128xf32, #tpu.memory_space<vmem>>) target(%dma_start3A_119 : memref<10240x128xf32, #tpu.memory_space<vmem_shared>>) offsets(%dma_start3A_116 : memref<128xi32, #tpu.memory_space<vmem>>) semaphore(%run_scoped3A_109 : memref<!tpu.dma_semaphore, #tpu.memory_space<semaphore_mem>>) {add = true}
          %dma_wait3A_120 = arith.constant 0 : i32
          %dma_wait3A_121 = arith.constant 0 : i32
          %dma_wait3A_122 = tpu.memref_slice %arg8[%run_scoped3A, %dma_wait3A_120, %dma_wait3A_121] : memref<2x128x128xf32, #tpu.memory_space<vmem>> -> memref<1x128x128xf32, #tpu.memory_space<vmem>>
          %dma_wait3A_123 = tpu.memref_squeeze %dma_wait3A_122 : memref<1x128x128xf32, #tpu.memory_space<vmem>> -> memref<128x128xf32, #tpu.memory_space<vmem>>
          %dma_wait3A_124 = arith.constant 0 : i32
          %dma_wait3A_125 = tpu.memref_slice %arg7[%add3A_71, %dma_wait3A_124] : memref<40x128xi32, #tpu.memory_space<vmem>> -> memref<1x128xi32, #tpu.memory_space<vmem>>
          %dma_wait3A_126 = tpu.memref_squeeze %dma_wait3A_125 : memref<1x128xi32, #tpu.memory_space<vmem>> -> memref<128xi32, #tpu.memory_space<vmem>>
          %dma_wait3A_127 = arith.constant 0 : i32
          %dma_wait3A_128 = arith.constant 0 : i32
          %dma_wait3A_129 = tpu.memref_slice %arg9[%dma_wait3A_127, %dma_wait3A_128] : memref<10240x128xf32, #tpu.memory_space<vmem_shared>> -> memref<10240x128xf32, #tpu.memory_space<vmem_shared>>
          tpu.wait_indirect_dma semaphore(%run_scoped3A_109 : memref<!tpu.dma_semaphore, #tpu.memory_space<semaphore_mem>>) src(%dma_wait3A_123 : memref<128x128xf32, #tpu.memory_space<vmem>>) dst(%dma_wait3A_129 : memref<10240x128xf32, #tpu.memory_space<vmem_shared>>)
          tpu.yield
        }) : () -> ()
        %add3A_82 = arith.constant 2 : i32
        %add3A_83 = arith.addi %add3A_71, %add3A_82 : i32
        %lt3A = arith.constant 40 : i32
        %lt3A_84 = arith.cmpi slt, %add3A_83, %lt3A : i32
        %convert_element_type3A = arith.extui %lt3A_84 : i1 to i32
        %cond3A = arith.constant 0 : i32
        %cond3A_85 = arith.cmpi ne, %convert_element_type3A, %cond3A : i32
        scf.if %cond3A_85 {
          %dma_start3A_109 = arith.constant 0 : i32
          %dma_start3A_110 = arith.constant 0 : i32
          %dma_start3A_111 = arith.constant 0 : i32
          %dma_start3A_112 = tpu.memref_slice %arg8[%dma_start3A_109, %dma_start3A_110, %dma_start3A_111] : memref<2x128x128xf32, #tpu.memory_space<vmem>> -> memref<1x128x128xf32, #tpu.memory_space<vmem>>
          %dma_start3A_113 = tpu.memref_squeeze %dma_start3A_112 : memref<1x128x128xf32, #tpu.memory_space<vmem>> -> memref<128x128xf32, #tpu.memory_space<vmem>>
          %dma_start3A_114 = arith.constant 0 : i32
          %dma_start3A_115 = tpu.memref_slice %arg6[%add3A_83, %dma_start3A_114] : memref<40x128xi32, #tpu.memory_space<vmem>> -> memref<1x128xi32, #tpu.memory_space<vmem>>
          %dma_start3A_116 = tpu.memref_squeeze %dma_start3A_115 : memref<1x128xi32, #tpu.memory_space<vmem>> -> memref<128xi32, #tpu.memory_space<vmem>>
          %dma_start3A_117 = arith.constant 0 : i32
          %dma_start3A_118 = arith.constant 0 : i32
          %dma_start3A_119 = tpu.memref_slice %arg2[%dma_start3A_117, %dma_start3A_118] : memref<10000x128xf32, #tpu.memory_space<hbm>> -> memref<10000x128xf32, #tpu.memory_space<hbm>>
          tpu.enqueue_indirect_dma source(%dma_start3A_119 : memref<10000x128xf32, #tpu.memory_space<hbm>>) target(%dma_start3A_113 : memref<128x128xf32, #tpu.memory_space<vmem>>) offsets(%dma_start3A_116 : memref<128xi32, #tpu.memory_space<vmem>>) semaphore(%arg10 : memref<!tpu.dma_semaphore, #tpu.memory_space<semaphore_mem>>)
        } else {
        }
        %mul3A_86 = arith.constant 2 : i32
        %mul3A_87 = arith.muli %scan3A_67, %mul3A_86 : i32
        %add3A_88 = arith.constant 1 : i32
        %add3A_89 = arith.addi %mul3A_87, %add3A_88 : i32
        %dma_wait3A_90 = arith.constant 1 : i32
        %dma_wait3A_91 = arith.constant 0 : i32
        %dma_wait3A_92 = arith.constant 0 : i32
        %dma_wait3A_93 = tpu.memref_slice %arg8[%dma_wait3A_90, %dma_wait3A_91, %dma_wait3A_92] : memref<2x128x128xf32, #tpu.memory_space<vmem>> -> memref<1x128x128xf32, #tpu.memory_space<vmem>>
        %dma_wait3A_94 = tpu.memref_squeeze %dma_wait3A_93 : memref<1x128x128xf32, #tpu.memory_space<vmem>> -> memref<128x128xf32, #tpu.memory_space<vmem>>
        %dma_wait3A_95 = arith.constant 0 : i32
        %dma_wait3A_96 = tpu.memref_slice %arg6[%add3A_89, %dma_wait3A_95] : memref<40x128xi32, #tpu.memory_space<vmem>> -> memref<1x128xi32, #tpu.memory_space<vmem>>
        %dma_wait3A_97 = tpu.memref_squeeze %dma_wait3A_96 : memref<1x128xi32, #tpu.memory_space<vmem>> -> memref<128xi32, #tpu.memory_space<vmem>>
        %dma_wait3A_98 = arith.constant 0 : i32
        %dma_wait3A_99 = arith.constant 0 : i32
        %dma_wait3A_100 = tpu.memref_slice %arg2[%dma_wait3A_98, %dma_wait3A_99] : memref<10000x128xf32, #tpu.memory_space<hbm>> -> memref<10000x128xf32, #tpu.memory_space<hbm>>
        tpu.wait_indirect_dma semaphore(%arg11 : memref<!tpu.dma_semaphore, #tpu.memory_space<semaphore_mem>>) src(%dma_wait3A_100 : memref<10000x128xf32, #tpu.memory_space<hbm>>) dst(%dma_wait3A_94 : memref<128x128xf32, #tpu.memory_space<vmem>>)
        %run_scoped3A_101 = arith.constant 1 : i32
        "tpu.region"() ({
          %run_scoped3A_109 = tpu.sem_alloc : memref<!tpu.dma_semaphore, #tpu.memory_space<semaphore_mem>>
          %dma_start3A_110 = arith.constant 0 : i32
          %dma_start3A_111 = arith.constant 0 : i32
          %dma_start3A_112 = tpu.memref_slice %arg8[%run_scoped3A_101, %dma_start3A_110, %dma_start3A_111] : memref<2x128x128xf32, #tpu.memory_space<vmem>> -> memref<1x128x128xf32, #tpu.memory_space<vmem>>
          %dma_start3A_113 = tpu.memref_squeeze %dma_start3A_112 : memref<1x128x128xf32, #tpu.memory_space<vmem>> -> memref<128x128xf32, #tpu.memory_space<vmem>>
          %dma_start3A_114 = arith.constant 0 : i32
          %dma_start3A_115 = tpu.memref_slice %arg7[%add3A_89, %dma_start3A_114] : memref<40x128xi32, #tpu.memory_space<vmem>> -> memref<1x128xi32, #tpu.memory_space<vmem>>
          %dma_start3A_116 = tpu.memref_squeeze %dma_start3A_115 : memref<1x128xi32, #tpu.memory_space<vmem>> -> memref<128xi32, #tpu.memory_space<vmem>>
          %dma_start3A_117 = arith.constant 0 : i32
          %dma_start3A_118 = arith.constant 0 : i32
          %dma_start3A_119 = tpu.memref_slice %arg9[%dma_start3A_117, %dma_start3A_118] : memref<10240x128xf32, #tpu.memory_space<vmem_shared>> -> memref<10240x128xf32, #tpu.memory_space<vmem_shared>>
          tpu.enqueue_indirect_dma source(%dma_start3A_113 : memref<128x128xf32, #tpu.memory_space<vmem>>) target(%dma_start3A_119 : memref<10240x128xf32, #tpu.memory_space<vmem_shared>>) offsets(%dma_start3A_116 : memref<128xi32, #tpu.memory_space<vmem>>) semaphore(%run_scoped3A_109 : memref<!tpu.dma_semaphore, #tpu.memory_space<semaphore_mem>>) {add = true}
          %dma_wait3A_120 = arith.constant 0 : i32
          %dma_wait3A_121 = arith.constant 0 : i32
          %dma_wait3A_122 = tpu.memref_slice %arg8[%run_scoped3A_101, %dma_wait3A_120, %dma_wait3A_121] : memref<2x128x128xf32, #tpu.memory_space<vmem>> -> memref<1x128x128xf32, #tpu.memory_space<vmem>>
          %dma_wait3A_123 = tpu.memref_squeeze %dma_wait3A_122 : memref<1x128x128xf32, #tpu.memory_space<vmem>> -> memref<128x128xf32, #tpu.memory_space<vmem>>
          %dma_wait3A_124 = arith.constant 0 : i32
          %dma_wait3A_125 = tpu.memref_slice %arg7[%add3A_89, %dma_wait3A_124] : memref<40x128xi32, #tpu.memory_space<vmem>> -> memref<1x128xi32, #tpu.memory_space<vmem>>
          %dma_wait3A_126 = tpu.memref_squeeze %dma_wait3A_125 : memref<1x128xi32, #tpu.memory_space<vmem>> -> memref<128xi32, #tpu.memory_space<vmem>>
          %dma_wait3A_127 = arith.constant 0 : i32
          %dma_wait3A_128 = arith.constant 0 : i32
          %dma_wait3A_129 = tpu.memref_slice %arg9[%dma_wait3A_127, %dma_wait3A_128] : memref<10240x128xf32, #tpu.memory_space<vmem_shared>> -> memref<10240x128xf32, #tpu.memory_space<vmem_shared>>
          tpu.wait_indirect_dma semaphore(%run_scoped3A_109 : memref<!tpu.dma_semaphore, #tpu.memory_space<semaphore_mem>>) src(%dma_wait3A_123 : memref<128x128xf32, #tpu.memory_space<vmem>>) dst(%dma_wait3A_129 : memref<10240x128xf32, #tpu.memory_space<vmem_shared>>)
          tpu.yield
        }) : () -> ()
        %add3A_102 = arith.constant 2 : i32
        %add3A_103 = arith.addi %add3A_89, %add3A_102 : i32
        %lt3A_104 = arith.constant 40 : i32
        %lt3A_105 = arith.cmpi slt, %add3A_103, %lt3A_104 : i32
        %convert_element_type3A_106 = arith.extui %lt3A_105 : i1 to i32
        %cond3A_107 = arith.constant 0 : i32
        %cond3A_108 = arith.cmpi ne, %convert_element_type3A_106, %cond3A_107 : i32
        scf.if %cond3A_108 {
          %dma_start3A_109 = arith.constant 1 : i32
          %dma_start3A_110 = arith.constant 0 : i32
          %dma_start3A_111 = arith.constant 0 : i32
          %dma_start3A_112 = tpu.memref_slice %arg8[%dma_start3A_109, %dma_start3A_110, %dma_start3A_111] : memref<2x128x128xf32, #tpu.memory_space<vmem>> -> memref<1x128x128xf32, #tpu.memory_space<vmem>>
          %dma_start3A_113 = tpu.memref_squeeze %dma_start3A_112 : memref<1x128x128xf32, #tpu.memory_space<vmem>> -> memref<128x128xf32, #tpu.memory_space<vmem>>
          %dma_start3A_114 = arith.constant 0 : i32
          %dma_start3A_115 = tpu.memref_slice %arg6[%add3A_103, %dma_start3A_114] : memref<40x128xi32, #tpu.memory_space<vmem>> -> memref<1x128xi32, #tpu.memory_space<vmem>>
          %dma_start3A_116 = tpu.memref_squeeze %dma_start3A_115 : memref<1x128xi32, #tpu.memory_space<vmem>> -> memref<128xi32, #tpu.memory_space<vmem>>
          %dma_start3A_117 = arith.constant 0 : i32
          %dma_start3A_118 = arith.constant 0 : i32
          %dma_start3A_119 = tpu.memref_slice %arg2[%dma_start3A_117, %dma_start3A_118] : memref<10000x128xf32, #tpu.memory_space<hbm>> -> memref<10000x128xf32, #tpu.memory_space<hbm>>
          tpu.enqueue_indirect_dma source(%dma_start3A_119 : memref<10000x128xf32, #tpu.memory_space<hbm>>) target(%dma_start3A_113 : memref<128x128xf32, #tpu.memory_space<vmem>>) offsets(%dma_start3A_116 : memref<128xi32, #tpu.memory_space<vmem>>) semaphore(%arg11 : memref<!tpu.dma_semaphore, #tpu.memory_space<semaphore_mem>>)
        } else {
        }
      }
      %scan3A_66 = arith.constant 20 : i32
    }
    %scan3A_18 = arith.constant 2 : i32
    %barrier3A_19 = arith.constant 0 : index
    tpu.barrier barrier_id(%barrier3A_19)
    %mul3A_20 = arith.constant 640 : i32
    %mul3A_21 = arith.muli %arg1, %mul3A_20 : i32
    %mul3A_22 = arith.constant 10240 : i32
    %mul3A_23 = arith.muli %arg0, %mul3A_22 : i32
    %mul3A_24 = arith.constant 640 : i32
    %mul3A_25 = arith.muli %arg1, %mul3A_24 : i32
    %add3A_26 = arith.addi %mul3A_23, %mul3A_25 : i32
    "tpu.region"() ({
      %run_scoped3A = tpu.sem_alloc : memref<!tpu.dma_semaphore, #tpu.memory_space<semaphore_mem>>
      %dma_start3A = arith.constant 0 : i32
      %dma_start3A_27 = tpu.memref_slice %arg5[%add3A_26, %dma_start3A] : memref<20480x128xf32, #tpu.memory_space<hbm>> -> memref<640x128xf32, #tpu.memory_space<hbm>>
      %dma_start3A_28 = arith.constant 0 : i32
      %dma_start3A_29 = tpu.memref_slice %arg9[%mul3A_21, %dma_start3A_28] : memref<10240x128xf32, #tpu.memory_space<vmem_shared>> -> memref<640x128xf32, #tpu.memory_space<vmem_shared>>
      tpu.enqueue_dma source(%dma_start3A_29 : memref<640x128xf32, #tpu.memory_space<vmem_shared>>) target(%dma_start3A_27 : memref<640x128xf32, #tpu.memory_space<hbm>>) target_semaphore(%run_scoped3A : memref<!tpu.dma_semaphore, #tpu.memory_space<semaphore_mem>>)
      %dma_wait3A = arith.constant 0 : i32
      %dma_wait3A_30 = tpu.memref_slice %arg5[%add3A_26, %dma_wait3A] : memref<20480x128xf32, #tpu.memory_space<hbm>> -> memref<640x128xf32, #tpu.memory_space<hbm>>
      %dma_wait3A_31 = arith.constant 0 : i32
      %dma_wait3A_32 = tpu.memref_slice %arg9[%mul3A_21, %dma_wait3A_31] : memref<10240x128xf32, #tpu.memory_space<vmem_shared>> -> memref<640x128xf32, #tpu.memory_space<vmem_shared>>
      tpu.wait_dma2 semaphore(%run_scoped3A : memref<!tpu.dma_semaphore, #tpu.memory_space<semaphore_mem>>) src(%dma_wait3A_32 : memref<640x128xf32, #tpu.memory_space<vmem_shared>>) dst(%dma_wait3A_30 : memref<640x128xf32, #tpu.memory_space<hbm>>)
      tpu.yield
    }) : () -> ()
    return
  }
}

#map = affine_map<(d0, d1) -> (0, 0)>
module attributes {stable_mosaic.version = 14 : i64} {
  func.func @_segment_sum_sc(%arg0: i32, %arg1: i32, %arg2: memref<10000x128xf32, #tpu.memory_space<hbm>>, %arg3: memref<2560x128xi32, #tpu.memory_space<hbm>>, %arg4: memref<2560x128xi32, #tpu.memory_space<hbm>>, %arg5: memref<20480x128xf32, #tpu.memory_space<hbm>>, %arg6: memref<40x128xi32, #tpu.memory_space<vmem>>, %arg7: memref<40x128xi32, #tpu.memory_space<vmem>>, %arg8: memref<2x128x128xf32, #tpu.memory_space<vmem>>, %arg9: memref<10240x128xf32, #tpu.memory_space<vmem_shared>>, %arg10: memref<!tpu.dma_semaphore, #tpu.memory_space<semaphore_mem>>, %arg11: memref<!tpu.dma_semaphore, #tpu.memory_space<semaphore_mem>>, %arg12: memref<!tpu.dma_semaphore, #tpu.memory_space<semaphore_mem>>, %arg13: memref<!tpu.dma_semaphore, #tpu.memory_space<semaphore_mem>>) attributes {dimension_semantics = [#tpu.dimension_semantics<core_parallel>, #tpu.dimension_semantics<subcore_parallel>], iteration_bounds = array<i64: 2, 16>, scalar_prefetch = 0 : i64, scratch_operands = 8 : i64, tpu.core_type = #tpu.core_type<sc_vector_subcore>, window_params = [{transform_indices = #map}, {transform_indices = #map}, {transform_indices = #map}, {transform_indices = #map}]} {
    %mul3A = arith.constant 16 : i32
    %mul3A_0 = arith.muli %arg0, %mul3A : i32
    %add3A = arith.addi %mul3A_0, %arg1 : i32
    %broadcast_in_dim3A = arith.constant 0.000000e+00 : f32
    %broadcast_in_dim3A_1 = vector.broadcast %broadcast_in_dim3A : f32 to vector<16xf32>
    %scan3A = arith.constant 0 : i32
    %scan3A_2 = arith.constant 0 : i32
    %scan3A_3 = arith.constant 640 : i32
    %scan3A_4 = arith.addi %scan3A_2, %scan3A_3 : i32
    %scan3A_5 = arith.constant 1 : i32
    scf.for %scan3A_27 = %scan3A_2 to %scan3A_4 step %scan3A_5  : i32 {
      %jit3A = arith.constant 8 : i32
      %div3A = arith.divsi %scan3A_27, %jit3A : i32
      %sign3A = arith.constant 0 : i32
      %sign3A_28 = arith.cmpi sgt, %scan3A_27, %sign3A : i32
      %sign3A_29 = arith.extui %sign3A_28 : i1 to i32
      %sign3A_30 = arith.constant 0 : i32
      %sign3A_31 = arith.cmpi slt, %scan3A_27, %sign3A_30 : i32
      %sign3A_32 = arith.extui %sign3A_31 : i1 to i32
      %sign3A_33 = arith.subi %sign3A_29, %sign3A_32 : i32
      %sign3A_34 = arith.constant 0 : i32
      %sign3A_35 = arith.cmpi sgt, %jit3A, %sign3A_34 : i32
      %sign3A_36 = arith.extui %sign3A_35 : i1 to i32
      %sign3A_37 = arith.constant 0 : i32
      %sign3A_38 = arith.cmpi slt, %jit3A, %sign3A_37 : i32
      %sign3A_39 = arith.extui %sign3A_38 : i1 to i32
      %sign3A_40 = arith.subi %sign3A_36, %sign3A_39 : i32
      %ne3A = arith.cmpi ne, %sign3A_33, %sign3A_40 : i32
      %rem3A = arith.remsi %scan3A_27, %jit3A : i32
      %ne3A_41 = arith.constant 0 : i32
      %ne3A_42 = arith.cmpi ne, %rem3A, %ne3A_41 : i32
      %and3A = arith.andi %ne3A, %ne3A_42 : i1
      %sub3A = arith.constant 1 : i32
      %sub3A_43 = arith.subi %div3A, %sub3A : i32
      %select_n3A = arith.select %and3A, %sub3A_43, %div3A : i32
      %jit3A_44 = arith.constant 8 : i32
      %eq3A = arith.constant 0 : i32
      %eq3A_45 = arith.cmpi eq, %jit3A_44, %eq3A : i32
      %jit3A_46 = arith.constant 1 : i32
      %select_n3A_47 = arith.select %eq3A_45, %jit3A_46, %jit3A_44 : i32
      %rem3A_48 = arith.remsi %scan3A_27, %select_n3A_47 : i32
      %ne3A_49 = arith.constant 0 : i32
      %ne3A_50 = arith.cmpi ne, %rem3A_48, %ne3A_49 : i32
      %lt3A = arith.constant 0 : i32
      %lt3A_51 = arith.cmpi slt, %rem3A_48, %lt3A : i32
      %lt3A_52 = arith.constant 0 : i32
      %lt3A_53 = arith.cmpi slt, %select_n3A_47, %lt3A_52 : i32
      %ne3A_54 = arith.xori %lt3A_51, %lt3A_53 : i1
      %and3A_55 = arith.andi %ne3A_54, %ne3A_50 : i1
      %add3A_56 = arith.addi %rem3A_48, %select_n3A_47 : i32
      %select_n3A_57 = arith.select %and3A_55, %add3A_56, %rem3A_48 : i32
      %mul3A_58 = arith.constant 16 : i32
      %mul3A_59 = arith.muli %select_n3A_57, %mul3A_58 : i32
      %swap3A = arith.constant 0 : i32
      %swap3A_60 = arith.index_cast %swap3A : i32 to index
      %swap3A_61 = arith.index_cast %select_n3A : i32 to index
      %swap3A_62 = arith.index_cast %mul3A_59 : i32 to index
      %swap3A_63 = tpu.vector_load %arg8[%swap3A_60, %swap3A_61, %swap3A_62] {strides = array<i32>} : memref<2x128x128xf32, #tpu.memory_space<vmem>>, vector<1x1x16xf32>,
      %swap3A_64 = vector.shape_cast %swap3A_63 : vector<1x1x16xf32> to vector<16xf32>
      %swap3A_65 = vector.shape_cast %broadcast_in_dim3A_1 : vector<16xf32> to vector<1x1x16xf32>
      tpu.vector_store %arg8[%swap3A_60, %swap3A_61, %swap3A_62], %swap3A_65 {strides = array<i32>} : memref<2x128x128xf32, #tpu.memory_space<vmem>>, vector<1x1x16xf32>,
    }
    %scan3A_6 = arith.constant 640 : i32
    %scan3A_7 = arith.constant 0 : i32
    %scan3A_8 = arith.constant 0 : i32
    %scan3A_9 = arith.constant 8 : i32
    %scan3A_10 = arith.addi %scan3A_8, %scan3A_9 : i32
    %scan3A_11 = arith.constant 1 : i32
    scf.for %scan3A_27 = %scan3A_8 to %scan3A_10 step %scan3A_11  : i32 {
      %mul3A_28 = arith.constant 640 : i32
      %mul3A_29 = arith.muli %arg1, %mul3A_28 : i32
      %mul3A_30 = arith.constant 80 : i32
      %mul3A_31 = arith.muli %scan3A_27, %mul3A_30 : i32
      %add3A_32 = arith.addi %mul3A_29, %mul3A_31 : i32
      %run_scoped3A = arith.constant 0 : i32
      "tpu.region"() ({
        %run_scoped3A_33 = tpu.sem_alloc : memref<!tpu.dma_semaphore, #tpu.memory_space<semaphore_mem>>
        %dma_start3A = arith.constant 0 : i32
        %dma_start3A_34 = arith.constant 0 : i32
        %dma_start3A_35 = tpu.memref_slice %arg8[%run_scoped3A, %dma_start3A, %dma_start3A_34] : memref<2x128x128xf32, #tpu.memory_space<vmem>> -> memref<1x80x128xf32, #tpu.memory_space<vmem>>
        %dma_start3A_36 = tpu.memref_squeeze %dma_start3A_35 : memref<1x80x128xf32, #tpu.memory_space<vmem>> -> memref<80x128xf32, #tpu.memory_space<vmem>>
        %dma_start3A_37 = arith.constant 0 : i32
        %dma_start3A_38 = tpu.memref_slice %arg9[%add3A_32, %dma_start3A_37] : memref<10240x128xf32, #tpu.memory_space<vmem_shared>> -> memref<80x128xf32, #tpu.memory_space<vmem_shared>>
        %dma_start3A_39 = arith.constant 0 : i32
        %dma_start3A_40 = tpu.memref_slice %arg9[%add3A_32, %dma_start3A_39] : memref<10240x128xf32, #tpu.memory_space<vmem_shared>> -> memref<80x128xf32, #tpu.memory_space<vmem_shared>>
        %dma_start3A_41 = arith.constant 0 : i32
        %dma_start3A_42 = arith.constant 0 : i32
        %dma_start3A_43 = tpu.memref_slice %arg8[%run_scoped3A, %dma_start3A_41, %dma_start3A_42] : memref<2x128x128xf32, #tpu.memory_space<vmem>> -> memref<1x80x128xf32, #tpu.memory_space<vmem>>
        %dma_start3A_44 = tpu.memref_squeeze %dma_start3A_43 : memref<1x80x128xf32, #tpu.memory_space<vmem>> -> memref<80x128xf32, #tpu.memory_space<vmem>>
        tpu.enqueue_dma source(%dma_start3A_44 : memref<80x128xf32, #tpu.memory_space<vmem>>) target(%dma_start3A_40 : memref<80x128xf32, #tpu.memory_space<vmem_shared>>) target_semaphore(%run_scoped3A_33 : memref<!tpu.dma_semaphore, #tpu.memory_space<semaphore_mem>>)
        %dma_wait3A = arith.constant 0 : i32
        %dma_wait3A_45 = arith.constant 0 : i32
        %dma_wait3A_46 = tpu.memref_slice %arg8[%run_scoped3A, %dma_wait3A, %dma_wait3A_45] : memref<2x128x128xf32, #tpu.memory_space<vmem>> -> memref<1x80x128xf32, #tpu.memory_space<vmem>>
        %dma_wait3A_47 = tpu.memref_squeeze %dma_wait3A_46 : memref<1x80x128xf32, #tpu.memory_space<vmem>> -> memref<80x128xf32, #tpu.memory_space<vmem>>
        %dma_wait3A_48 = arith.constant 0 : i32
        %dma_wait3A_49 = tpu.memref_slice %arg9[%add3A_32, %dma_wait3A_48] : memref<10240x128xf32, #tpu.memory_space<vmem_shared>> -> memref<80x128xf32, #tpu.memory_space<vmem_shared>>
        %dma_wait3A_50 = arith.constant 0 : i32
        %dma_wait3A_51 = tpu.memref_slice %arg9[%add3A_32, %dma_wait3A_50] : memref<10240x128xf32, #tpu.memory_space<vmem_shared>> -> memref<80x128xf32, #tpu.memory_space<vmem_shared>>
        %dma_wait3A_52 = arith.constant 0 : i32
        %dma_wait3A_53 = arith.constant 0 : i32
        %dma_wait3A_54 = tpu.memref_slice %arg8[%run_scoped3A, %dma_wait3A_52, %dma_wait3A_53] : memref<2x128x128xf32, #tpu.memory_space<vmem>> -> memref<1x80x128xf32, #tpu.memory_space<vmem>>
        %dma_wait3A_55 = tpu.memref_squeeze %dma_wait3A_54 : memref<1x80x128xf32, #tpu.memory_space<vmem>> -> memref<80x128xf32, #tpu.memory_space<vmem>>
        tpu.wait_dma2 semaphore(%run_scoped3A_33 : memref<!tpu.dma_semaphore, #tpu.memory_space<semaphore_mem>>) src(%dma_wait3A_55 : memref<80x128xf32, #tpu.memory_space<vmem>>) dst(%dma_wait3A_51 : memref<80x128xf32, #tpu.memory_space<vmem_shared>>)
        tpu.yield
      }) : () -> ()
    }
    %scan3A_12 = arith.constant 8 : i32
    %barrier3A = arith.constant 0 : index
    tpu.barrier barrier_id(%barrier3A)
    %scan3A_13 = arith.constant 0 : i32
    %scan3A_14 = arith.constant 0 : i32
    %scan3A_15 = arith.constant 2 : i32
    %scan3A_16 = arith.addi %scan3A_14, %scan3A_15 : i32
    %scan3A_17 = arith.constant 1 : i32
    scf.for %scan3A_27 = %scan3A_14 to %scan3A_16 step %scan3A_17  : i32 {
      %mul3A_28 = arith.constant 80 : i32
      %mul3A_29 = arith.muli %add3A, %mul3A_28 : i32
      %mul3A_30 = arith.constant 40 : i32
      %mul3A_31 = arith.muli %scan3A_27, %mul3A_30 : i32
      %add3A_32 = arith.addi %mul3A_29, %mul3A_31 : i32
      "tpu.region"() ({
        %run_scoped3A = tpu.sem_alloc : memref<!tpu.dma_semaphore, #tpu.memory_space<semaphore_mem>>
        %dma_start3A_67 = arith.constant 0 : i32
        %dma_start3A_68 = tpu.memref_slice %arg3[%add3A_32, %dma_start3A_67] : memref<2560x128xi32, #tpu.memory_space<hbm>> -> memref<40x128xi32, #tpu.memory_space<hbm>>
        %dma_start3A_69 = arith.constant 0 : i32
        %dma_start3A_70 = tpu.memref_slice %arg3[%add3A_32, %dma_start3A_69] : memref<2560x128xi32, #tpu.memory_space<hbm>> -> memref<40x128xi32, #tpu.memory_space<hbm>>
        tpu.enqueue_dma source(%dma_start3A_70 : memref<40x128xi32, #tpu.memory_space<hbm>>) target(%arg6 : memref<40x128xi32, #tpu.memory_space<vmem>>) target_semaphore(%run_scoped3A : memref<!tpu.dma_semaphore, #tpu.memory_space<semaphore_mem>>)
        %dma_wait3A = arith.constant 0 : i32
        %dma_wait3A_71 = tpu.memref_slice %arg3[%add3A_32, %dma_wait3A] : memref<2560x128xi32, #tpu.memory_space<hbm>> -> memref<40x128xi32, #tpu.memory_space<hbm>>
        %dma_wait3A_72 = arith.constant 0 : i32
        %dma_wait3A_73 = tpu.memref_slice %arg3[%add3A_32, %dma_wait3A_72] : memref<2560x128xi32, #tpu.memory_space<hbm>> -> memref<40x128xi32, #tpu.memory_space<hbm>>
        tpu.wait_dma2 semaphore(%run_scoped3A : memref<!tpu.dma_semaphore, #tpu.memory_space<semaphore_mem>>) src(%dma_wait3A_73 : memref<40x128xi32, #tpu.memory_space<hbm>>) dst(%arg6 : memref<40x128xi32, #tpu.memory_space<vmem>>)
        tpu.yield
      }) : () -> ()
      %mul3A_33 = arith.constant 80 : i32
      %mul3A_34 = arith.muli %add3A, %mul3A_33 : i32
      %mul3A_35 = arith.constant 40 : i32
      %mul3A_36 = arith.muli %scan3A_27, %mul3A_35 : i32
      %add3A_37 = arith.addi %mul3A_34, %mul3A_36 : i32
      "tpu.region"() ({
        %run_scoped3A = tpu.sem_alloc : memref<!tpu.dma_semaphore, #tpu.memory_space<semaphore_mem>>
        %dma_start3A_67 = arith.constant 0 : i32
        %dma_start3A_68 = tpu.memref_slice %arg4[%add3A_37, %dma_start3A_67] : memref<2560x128xi32, #tpu.memory_space<hbm>> -> memref<40x128xi32, #tpu.memory_space<hbm>>
        %dma_start3A_69 = arith.constant 0 : i32
        %dma_start3A_70 = tpu.memref_slice %arg4[%add3A_37, %dma_start3A_69] : memref<2560x128xi32, #tpu.memory_space<hbm>> -> memref<40x128xi32, #tpu.memory_space<hbm>>
        tpu.enqueue_dma source(%dma_start3A_70 : memref<40x128xi32, #tpu.memory_space<hbm>>) target(%arg7 : memref<40x128xi32, #tpu.memory_space<vmem>>) target_semaphore(%run_scoped3A : memref<!tpu.dma_semaphore, #tpu.memory_space<semaphore_mem>>)
        %dma_wait3A = arith.constant 0 : i32
        %dma_wait3A_71 = tpu.memref_slice %arg4[%add3A_37, %dma_wait3A] : memref<2560x128xi32, #tpu.memory_space<hbm>> -> memref<40x128xi32, #tpu.memory_space<hbm>>
        %dma_wait3A_72 = arith.constant 0 : i32
        %dma_wait3A_73 = tpu.memref_slice %arg4[%add3A_37, %dma_wait3A_72] : memref<2560x128xi32, #tpu.memory_space<hbm>> -> memref<40x128xi32, #tpu.memory_space<hbm>>
        tpu.wait_dma2 semaphore(%run_scoped3A : memref<!tpu.dma_semaphore, #tpu.memory_space<semaphore_mem>>) src(%dma_wait3A_73 : memref<40x128xi32, #tpu.memory_space<hbm>>) dst(%arg7 : memref<40x128xi32, #tpu.memory_space<vmem>>)
        tpu.yield
      }) : () -> ()
      %dma_start3A = arith.constant 0 : i32
      %dma_start3A_38 = arith.constant 0 : i32
      %dma_start3A_39 = arith.constant 0 : i32
      %dma_start3A_40 = arith.constant 0 : i32
      %dma_start3A_41 = tpu.memref_slice %arg8[%dma_start3A_38, %dma_start3A_39, %dma_start3A_40] : memref<2x128x128xf32, #tpu.memory_space<vmem>> -> memref<1x128x128xf32, #tpu.memory_space<vmem>>
      %dma_start3A_42 = tpu.memref_squeeze %dma_start3A_41 : memref<1x128x128xf32, #tpu.memory_space<vmem>> -> memref<128x128xf32, #tpu.memory_space<vmem>>
      %dma_start3A_43 = arith.constant 0 : i32
      %dma_start3A_44 = tpu.memref_slice %arg6[%dma_start3A, %dma_start3A_43] : memref<40x128xi32, #tpu.memory_space<vmem>> -> memref<1x128xi32, #tpu.memory_space<vmem>>
      %dma_start3A_45 = tpu.memref_squeeze %dma_start3A_44 : memref<1x128xi32, #tpu.memory_space<vmem>> -> memref<128xi32, #tpu.memory_space<vmem>>
      %dma_start3A_46 = arith.constant 0 : i32
      %dma_start3A_47 = arith.constant 0 : i32
      %dma_start3A_48 = tpu.memref_slice %arg2[%dma_start3A_46, %dma_start3A_47] : memref<10000x128xf32, #tpu.memory_space<hbm>> -> memref<10000x128xf32, #tpu.memory_space<hbm>>
      tpu.enqueue_indirect_dma source(%dma_start3A_48 : memref<10000x128xf32, #tpu.memory_space<hbm>>) target(%dma_start3A_42 : memref<128x128xf32, #tpu.memory_space<vmem>>) offsets(%dma_start3A_45 : memref<128xi32, #tpu.memory_space<vmem>>) semaphore(%arg10 : memref<!tpu.dma_semaphore, #tpu.memory_space<semaphore_mem>>)
      %dma_start3A_49 = arith.constant 1 : i32
      %dma_start3A_50 = arith.constant 1 : i32
      %dma_start3A_51 = arith.constant 0 : i32
      %dma_start3A_52 = arith.constant 0 : i32
      %dma_start3A_53 = tpu.memref_slice %arg8[%dma_start3A_50, %dma_start3A_51, %dma_start3A_52] : memref<2x128x128xf32, #tpu.memory_space<vmem>> -> memref<1x128x128xf32, #tpu.memory_space<vmem>>
      %dma_start3A_54 = tpu.memref_squeeze %dma_start3A_53 : memref<1x128x128xf32, #tpu.memory_space<vmem>> -> memref<128x128xf32, #tpu.memory_space<vmem>>
      %dma_start3A_55 = arith.constant 0 : i32
      %dma_start3A_56 = tpu.memref_slice %arg6[%dma_start3A_49, %dma_start3A_55] : memref<40x128xi32, #tpu.memory_space<vmem>> -> memref<1x128xi32, #tpu.memory_space<vmem>>
      %dma_start3A_57 = tpu.memref_squeeze %dma_start3A_56 : memref<1x128xi32, #tpu.memory_space<vmem>> -> memref<128xi32, #tpu.memory_space<vmem>>
      %dma_start3A_58 = arith.constant 0 : i32
      %dma_start3A_59 = arith.constant 0 : i32
      %dma_start3A_60 = tpu.memref_slice %arg2[%dma_start3A_58, %dma_start3A_59] : memref<10000x128xf32, #tpu.memory_space<hbm>> -> memref<10000x128xf32, #tpu.memory_space<hbm>>
      tpu.enqueue_indirect_dma source(%dma_start3A_60 : memref<10000x128xf32, #tpu.memory_space<hbm>>) target(%dma_start3A_54 : memref<128x128xf32, #tpu.memory_space<vmem>>) offsets(%dma_start3A_57 : memref<128xi32, #tpu.memory_space<vmem>>) semaphore(%arg11 : memref<!tpu.dma_semaphore, #tpu.memory_space<semaphore_mem>>)
      %scan3A_61 = arith.constant 0 : i32
      %scan3A_62 = arith.constant 0 : i32
      %scan3A_63 = arith.constant 20 : i32
      %scan3A_64 = arith.addi %scan3A_62, %scan3A_63 : i32
      %scan3A_65 = arith.constant 1 : i32
      scf.for %scan3A_67 = %scan3A_62 to %scan3A_64 step %scan3A_65  : i32 {
        %mul3A_68 = arith.constant 2 : i32
        %mul3A_69 = arith.muli %scan3A_67, %mul3A_68 : i32
        %add3A_70 = arith.constant 0 : i32
        %add3A_71 = arith.addi %mul3A_69, %add3A_70 : i32
        %dma_wait3A = arith.constant 0 : i32
        %dma_wait3A_72 = arith.constant 0 : i32
        %dma_wait3A_73 = arith.constant 0 : i32
        %dma_wait3A_74 = tpu.memref_slice %arg8[%dma_wait3A, %dma_wait3A_72, %dma_wait3A_73] : memref<2x128x128xf32, #tpu.memory_space<vmem>> -> memref<1x128x128xf32, #tpu.memory_space<vmem>>
        %dma_wait3A_75 = tpu.memref_squeeze %dma_wait3A_74 : memref<1x128x128xf32, #tpu.memory_space<vmem>> -> memref<128x128xf32, #tpu.memory_space<vmem>>
        %dma_wait3A_76 = arith.constant 0 : i32
        %dma_wait3A_77 = tpu.memref_slice %arg6[%add3A_71, %dma_wait3A_76] : memref<40x128xi32, #tpu.memory_space<vmem>> -> memref<1x128xi32, #tpu.memory_space<vmem>>
        %dma_wait3A_78 = tpu.memref_squeeze %dma_wait3A_77 : memref<1x128xi32, #tpu.memory_space<vmem>> -> memref<128xi32, #tpu.memory_space<vmem>>
        %dma_wait3A_79 = arith.constant 0 : i32
        %dma_wait3A_80 = arith.constant 0 : i32
        %dma_wait3A_81 = tpu.memref_slice %arg2[%dma_wait3A_79, %dma_wait3A_80] : memref<10000x128xf32, #tpu.memory_space<hbm>> -> memref<10000x128xf32, #tpu.memory_space<hbm>>
        tpu.wait_indirect_dma semaphore(%arg10 : memref<!tpu.dma_semaphore, #tpu.memory_space<semaphore_mem>>) src(%dma_wait3A_81 : memref<10000x128xf32, #tpu.memory_space<hbm>>) dst(%dma_wait3A_75 : memref<128x128xf32, #tpu.memory_space<vmem>>)
        %run_scoped3A = arith.constant 0 : i32
        "tpu.region"() ({
          %run_scoped3A_109 = tpu.sem_alloc : memref<!tpu.dma_semaphore, #tpu.memory_space<semaphore_mem>>
          %dma_start3A_110 = arith.constant 0 : i32
          %dma_start3A_111 = arith.constant 0 : i32
          %dma_start3A_112 = tpu.memref_slice %arg8[%run_scoped3A, %dma_start3A_110, %dma_start3A_111] : memref<2x128x128xf32, #tpu.memory_space<vmem>> -> memref<1x128x128xf32, #tpu.memory_space<vmem>>
          %dma_start3A_113 = tpu.memref_squeeze %dma_start3A_112 : memref<1x128x128xf32, #tpu.memory_space<vmem>> -> memref<128x128xf32, #tpu.memory_space<vmem>>
          %dma_start3A_114 = arith.constant 0 : i32
          %dma_start3A_115 = tpu.memref_slice %arg7[%add3A_71, %dma_start3A_114] : memref<40x128xi32, #tpu.memory_space<vmem>> -> memref<1x128xi32, #tpu.memory_space<vmem>>
          %dma_start3A_116 = tpu.memref_squeeze %dma_start3A_115 : memref<1x128xi32, #tpu.memory_space<vmem>> -> memref<128xi32, #tpu.memory_space<vmem>>
          %dma_start3A_117 = arith.constant 0 : i32
          %dma_start3A_118 = arith.constant 0 : i32
          %dma_start3A_119 = tpu.memref_slice %arg9[%dma_start3A_117, %dma_start3A_118] : memref<10240x128xf32, #tpu.memory_space<vmem_shared>> -> memref<10240x128xf32, #tpu.memory_space<vmem_shared>>
          tpu.enqueue_indirect_dma source(%dma_start3A_113 : memref<128x128xf32, #tpu.memory_space<vmem>>) target(%dma_start3A_119 : memref<10240x128xf32, #tpu.memory_space<vmem_shared>>) offsets(%dma_start3A_116 : memref<128xi32, #tpu.memory_space<vmem>>) semaphore(%run_scoped3A_109 : memref<!tpu.dma_semaphore, #tpu.memory_space<semaphore_mem>>) {add = true}
          %dma_wait3A_120 = arith.constant 0 : i32
          %dma_wait3A_121 = arith.constant 0 : i32
          %dma_wait3A_122 = tpu.memref_slice %arg8[%run_scoped3A, %dma_wait3A_120, %dma_wait3A_121] : memref<2x128x128xf32, #tpu.memory_space<vmem>> -> memref<1x128x128xf32, #tpu.memory_space<vmem>>
          %dma_wait3A_123 = tpu.memref_squeeze %dma_wait3A_122 : memref<1x128x128xf32, #tpu.memory_space<vmem>> -> memref<128x128xf32, #tpu.memory_space<vmem>>
          %dma_wait3A_124 = arith.constant 0 : i32
          %dma_wait3A_125 = tpu.memref_slice %arg7[%add3A_71, %dma_wait3A_124] : memref<40x128xi32, #tpu.memory_space<vmem>> -> memref<1x128xi32, #tpu.memory_space<vmem>>
          %dma_wait3A_126 = tpu.memref_squeeze %dma_wait3A_125 : memref<1x128xi32, #tpu.memory_space<vmem>> -> memref<128xi32, #tpu.memory_space<vmem>>
          %dma_wait3A_127 = arith.constant 0 : i32
          %dma_wait3A_128 = arith.constant 0 : i32
          %dma_wait3A_129 = tpu.memref_slice %arg9[%dma_wait3A_127, %dma_wait3A_128] : memref<10240x128xf32, #tpu.memory_space<vmem_shared>> -> memref<10240x128xf32, #tpu.memory_space<vmem_shared>>
          tpu.wait_indirect_dma semaphore(%run_scoped3A_109 : memref<!tpu.dma_semaphore, #tpu.memory_space<semaphore_mem>>) src(%dma_wait3A_123 : memref<128x128xf32, #tpu.memory_space<vmem>>) dst(%dma_wait3A_129 : memref<10240x128xf32, #tpu.memory_space<vmem_shared>>)
          tpu.yield
        }) : () -> ()
        %add3A_82 = arith.constant 2 : i32
        %add3A_83 = arith.addi %add3A_71, %add3A_82 : i32
        %lt3A = arith.constant 40 : i32
        %lt3A_84 = arith.cmpi slt, %add3A_83, %lt3A : i32
        %convert_element_type3A = arith.extui %lt3A_84 : i1 to i32
        %cond3A = arith.constant 0 : i32
        %cond3A_85 = arith.cmpi ne, %convert_element_type3A, %cond3A : i32
        scf.if %cond3A_85 {
          %dma_start3A_109 = arith.constant 0 : i32
          %dma_start3A_110 = arith.constant 0 : i32
          %dma_start3A_111 = arith.constant 0 : i32
          %dma_start3A_112 = tpu.memref_slice %arg8[%dma_start3A_109, %dma_start3A_110, %dma_start3A_111] : memref<2x128x128xf32, #tpu.memory_space<vmem>> -> memref<1x128x128xf32, #tpu.memory_space<vmem>>
          %dma_start3A_113 = tpu.memref_squeeze %dma_start3A_112 : memref<1x128x128xf32, #tpu.memory_space<vmem>> -> memref<128x128xf32, #tpu.memory_space<vmem>>
          %dma_start3A_114 = arith.constant 0 : i32
          %dma_start3A_115 = tpu.memref_slice %arg6[%add3A_83, %dma_start3A_114] : memref<40x128xi32, #tpu.memory_space<vmem>> -> memref<1x128xi32, #tpu.memory_space<vmem>>
          %dma_start3A_116 = tpu.memref_squeeze %dma_start3A_115 : memref<1x128xi32, #tpu.memory_space<vmem>> -> memref<128xi32, #tpu.memory_space<vmem>>
          %dma_start3A_117 = arith.constant 0 : i32
          %dma_start3A_118 = arith.constant 0 : i32
          %dma_start3A_119 = tpu.memref_slice %arg2[%dma_start3A_117, %dma_start3A_118] : memref<10000x128xf32, #tpu.memory_space<hbm>> -> memref<10000x128xf32, #tpu.memory_space<hbm>>
          tpu.enqueue_indirect_dma source(%dma_start3A_119 : memref<10000x128xf32, #tpu.memory_space<hbm>>) target(%dma_start3A_113 : memref<128x128xf32, #tpu.memory_space<vmem>>) offsets(%dma_start3A_116 : memref<128xi32, #tpu.memory_space<vmem>>) semaphore(%arg10 : memref<!tpu.dma_semaphore, #tpu.memory_space<semaphore_mem>>)
        } else {
        }
        %mul3A_86 = arith.constant 2 : i32
        %mul3A_87 = arith.muli %scan3A_67, %mul3A_86 : i32
        %add3A_88 = arith.constant 1 : i32
        %add3A_89 = arith.addi %mul3A_87, %add3A_88 : i32
        %dma_wait3A_90 = arith.constant 1 : i32
        %dma_wait3A_91 = arith.constant 0 : i32
        %dma_wait3A_92 = arith.constant 0 : i32
        %dma_wait3A_93 = tpu.memref_slice %arg8[%dma_wait3A_90, %dma_wait3A_91, %dma_wait3A_92] : memref<2x128x128xf32, #tpu.memory_space<vmem>> -> memref<1x128x128xf32, #tpu.memory_space<vmem>>
        %dma_wait3A_94 = tpu.memref_squeeze %dma_wait3A_93 : memref<1x128x128xf32, #tpu.memory_space<vmem>> -> memref<128x128xf32, #tpu.memory_space<vmem>>
        %dma_wait3A_95 = arith.constant 0 : i32
        %dma_wait3A_96 = tpu.memref_slice %arg6[%add3A_89, %dma_wait3A_95] : memref<40x128xi32, #tpu.memory_space<vmem>> -> memref<1x128xi32, #tpu.memory_space<vmem>>
        %dma_wait3A_97 = tpu.memref_squeeze %dma_wait3A_96 : memref<1x128xi32, #tpu.memory_space<vmem>> -> memref<128xi32, #tpu.memory_space<vmem>>
        %dma_wait3A_98 = arith.constant 0 : i32
        %dma_wait3A_99 = arith.constant 0 : i32
        %dma_wait3A_100 = tpu.memref_slice %arg2[%dma_wait3A_98, %dma_wait3A_99] : memref<10000x128xf32, #tpu.memory_space<hbm>> -> memref<10000x128xf32, #tpu.memory_space<hbm>>
        tpu.wait_indirect_dma semaphore(%arg11 : memref<!tpu.dma_semaphore, #tpu.memory_space<semaphore_mem>>) src(%dma_wait3A_100 : memref<10000x128xf32, #tpu.memory_space<hbm>>) dst(%dma_wait3A_94 : memref<128x128xf32, #tpu.memory_space<vmem>>)
        %run_scoped3A_101 = arith.constant 1 : i32
        "tpu.region"() ({
          %run_scoped3A_109 = tpu.sem_alloc : memref<!tpu.dma_semaphore, #tpu.memory_space<semaphore_mem>>
          %dma_start3A_110 = arith.constant 0 : i32
          %dma_start3A_111 = arith.constant 0 : i32
          %dma_start3A_112 = tpu.memref_slice %arg8[%run_scoped3A_101, %dma_start3A_110, %dma_start3A_111] : memref<2x128x128xf32, #tpu.memory_space<vmem>> -> memref<1x128x128xf32, #tpu.memory_space<vmem>>
          %dma_start3A_113 = tpu.memref_squeeze %dma_start3A_112 : memref<1x128x128xf32, #tpu.memory_space<vmem>> -> memref<128x128xf32, #tpu.memory_space<vmem>>
          %dma_start3A_114 = arith.constant 0 : i32
          %dma_start3A_115 = tpu.memref_slice %arg7[%add3A_89, %dma_start3A_114] : memref<40x128xi32, #tpu.memory_space<vmem>> -> memref<1x128xi32, #tpu.memory_space<vmem>>
          %dma_start3A_116 = tpu.memref_squeeze %dma_start3A_115 : memref<1x128xi32, #tpu.memory_space<vmem>> -> memref<128xi32, #tpu.memory_space<vmem>>
          %dma_start3A_117 = arith.constant 0 : i32
          %dma_start3A_118 = arith.constant 0 : i32
          %dma_start3A_119 = tpu.memref_slice %arg9[%dma_start3A_117, %dma_start3A_118] : memref<10240x128xf32, #tpu.memory_space<vmem_shared>> -> memref<10240x128xf32, #tpu.memory_space<vmem_shared>>
          tpu.enqueue_indirect_dma source(%dma_start3A_113 : memref<128x128xf32, #tpu.memory_space<vmem>>) target(%dma_start3A_119 : memref<10240x128xf32, #tpu.memory_space<vmem_shared>>) offsets(%dma_start3A_116 : memref<128xi32, #tpu.memory_space<vmem>>) semaphore(%run_scoped3A_109 : memref<!tpu.dma_semaphore, #tpu.memory_space<semaphore_mem>>) {add = true}
          %dma_wait3A_120 = arith.constant 0 : i32
          %dma_wait3A_121 = arith.constant 0 : i32
          %dma_wait3A_122 = tpu.memref_slice %arg8[%run_scoped3A_101, %dma_wait3A_120, %dma_wait3A_121] : memref<2x128x128xf32, #tpu.memory_space<vmem>> -> memref<1x128x128xf32, #tpu.memory_space<vmem>>
          %dma_wait3A_123 = tpu.memref_squeeze %dma_wait3A_122 : memref<1x128x128xf32, #tpu.memory_space<vmem>> -> memref<128x128xf32, #tpu.memory_space<vmem>>
          %dma_wait3A_124 = arith.constant 0 : i32
          %dma_wait3A_125 = tpu.memref_slice %arg7[%add3A_89, %dma_wait3A_124] : memref<40x128xi32, #tpu.memory_space<vmem>> -> memref<1x128xi32, #tpu.memory_space<vmem>>
          %dma_wait3A_126 = tpu.memref_squeeze %dma_wait3A_125 : memref<1x128xi32, #tpu.memory_space<vmem>> -> memref<128xi32, #tpu.memory_space<vmem>>
          %dma_wait3A_127 = arith.constant 0 : i32
          %dma_wait3A_128 = arith.constant 0 : i32
          %dma_wait3A_129 = tpu.memref_slice %arg9[%dma_wait3A_127, %dma_wait3A_128] : memref<10240x128xf32, #tpu.memory_space<vmem_shared>> -> memref<10240x128xf32, #tpu.memory_space<vmem_shared>>
          tpu.wait_indirect_dma semaphore(%run_scoped3A_109 : memref<!tpu.dma_semaphore, #tpu.memory_space<semaphore_mem>>) src(%dma_wait3A_123 : memref<128x128xf32, #tpu.memory_space<vmem>>) dst(%dma_wait3A_129 : memref<10240x128xf32, #tpu.memory_space<vmem_shared>>)
          tpu.yield
        }) : () -> ()
        %add3A_102 = arith.constant 2 : i32
        %add3A_103 = arith.addi %add3A_89, %add3A_102 : i32
        %lt3A_104 = arith.constant 40 : i32
        %lt3A_105 = arith.cmpi slt, %add3A_103, %lt3A_104 : i32
        %convert_element_type3A_106 = arith.extui %lt3A_105 : i1 to i32
        %cond3A_107 = arith.constant 0 : i32
        %cond3A_108 = arith.cmpi ne, %convert_element_type3A_106, %cond3A_107 : i32
        scf.if %cond3A_108 {
          %dma_start3A_109 = arith.constant 1 : i32
          %dma_start3A_110 = arith.constant 0 : i32
          %dma_start3A_111 = arith.constant 0 : i32
          %dma_start3A_112 = tpu.memref_slice %arg8[%dma_start3A_109, %dma_start3A_110, %dma_start3A_111] : memref<2x128x128xf32, #tpu.memory_space<vmem>> -> memref<1x128x128xf32, #tpu.memory_space<vmem>>
          %dma_start3A_113 = tpu.memref_squeeze %dma_start3A_112 : memref<1x128x128xf32, #tpu.memory_space<vmem>> -> memref<128x128xf32, #tpu.memory_space<vmem>>
          %dma_start3A_114 = arith.constant 0 : i32
          %dma_start3A_115 = tpu.memref_slice %arg6[%add3A_103, %dma_start3A_114] : memref<40x128xi32, #tpu.memory_space<vmem>> -> memref<1x128xi32, #tpu.memory_space<vmem>>
          %dma_start3A_116 = tpu.memref_squeeze %dma_start3A_115 : memref<1x128xi32, #tpu.memory_space<vmem>> -> memref<128xi32, #tpu.memory_space<vmem>>
          %dma_start3A_117 = arith.constant 0 : i32
          %dma_start3A_118 = arith.constant 0 : i32
          %dma_start3A_119 = tpu.memref_slice %arg2[%dma_start3A_117, %dma_start3A_118] : memref<10000x128xf32, #tpu.memory_space<hbm>> -> memref<10000x128xf32, #tpu.memory_space<hbm>>
          tpu.enqueue_indirect_dma source(%dma_start3A_119 : memref<10000x128xf32, #tpu.memory_space<hbm>>) target(%dma_start3A_113 : memref<128x128xf32, #tpu.memory_space<vmem>>) offsets(%dma_start3A_116 : memref<128xi32, #tpu.memory_space<vmem>>) semaphore(%arg11 : memref<!tpu.dma_semaphore, #tpu.memory_space<semaphore_mem>>)
        } else {
        }
      }
      %scan3A_66 = arith.constant 20 : i32
    }
    %scan3A_18 = arith.constant 2 : i32
    %barrier3A_19 = arith.constant 0 : index
    tpu.barrier barrier_id(%barrier3A_19)
    %mul3A_20 = arith.constant 640 : i32
    %mul3A_21 = arith.muli %arg1, %mul3A_20 : i32
    %mul3A_22 = arith.constant 10240 : i32
    %mul3A_23 = arith.muli %arg0, %mul3A_22 : i32
    %mul3A_24 = arith.constant 640 : i32
    %mul3A_25 = arith.muli %arg1, %mul3A_24 : i32
    %add3A_26 = arith.addi %mul3A_23, %mul3A_25 : i32
    "tpu.region"() ({
      %run_scoped3A = tpu.sem_alloc : memref<!tpu.dma_semaphore, #tpu.memory_space<semaphore_mem>>
      %dma_start3A = arith.constant 0 : i32
      %dma_start3A_27 = tpu.memref_slice %arg5[%add3A_26, %dma_start3A] : memref<20480x128xf32, #tpu.memory_space<hbm>> -> memref<640x128xf32, #tpu.memory_space<hbm>>
      %dma_start3A_28 = arith.constant 0 : i32
      %dma_start3A_29 = tpu.memref_slice %arg9[%mul3A_21, %dma_start3A_28] : memref<10240x128xf32, #tpu.memory_space<vmem_shared>> -> memref<640x128xf32, #tpu.memory_space<vmem_shared>>
      tpu.enqueue_dma source(%dma_start3A_29 : memref<640x128xf32, #tpu.memory_space<vmem_shared>>) target(%dma_start3A_27 : memref<640x128xf32, #tpu.memory_space<hbm>>) target_semaphore(%run_scoped3A : memref<!tpu.dma_semaphore, #tpu.memory_space<semaphore_mem>>)
      %dma_wait3A = arith.constant 0 : i32
      %dma_wait3A_30 = tpu.memref_slice %arg5[%add3A_26, %dma_wait3A] : memref<20480x128xf32, #tpu.memory_space<hbm>> -> memref<640x128xf32, #tpu.memory_space<hbm>>
      %dma_wait3A_31 = arith.constant 0 : i32
      %dma_wait3A_32 = tpu.memref_slice %arg9[%mul3A_21, %dma_wait3A_31] : memref<10240x128xf32, #tpu.memory_space<vmem_shared>> -> memref<640x128xf32, #tpu.memory_space<vmem_shared>>
      tpu.wait_dma2 semaphore(%run_scoped3A : memref<!tpu.dma_semaphore, #tpu.memory_space<semaphore_mem>>) src(%dma_wait3A_32 : memref<640x128xf32, #tpu.memory_space<vmem_shared>>) dst(%dma_wait3A_30 : memref<640x128xf32, #tpu.memory_space<hbm>>)
      tpu.yield
    }) : () -> ()
    return
  }
}

#map = affine_map<(d0, d1) -> (0, 0)>
module attributes {stable_mosaic.version = 14 : i64} {
  func.func @_segment_sum_sc(%arg0: i32, %arg1: i32, %arg2: memref<10000x128xf32, #tpu.memory_space<hbm>>, %arg3: memref<2560x128xi32, #tpu.memory_space<hbm>>, %arg4: memref<2560x128xi32, #tpu.memory_space<hbm>>, %arg5: memref<20480x128xf32, #tpu.memory_space<hbm>>, %arg6: memref<40x128xi32, #tpu.memory_space<vmem>>, %arg7: memref<40x128xi32, #tpu.memory_space<vmem>>, %arg8: memref<2x128x128xf32, #tpu.memory_space<vmem>>, %arg9: memref<10240x128xf32, #tpu.memory_space<vmem_shared>>, %arg10: memref<!tpu.dma_semaphore, #tpu.memory_space<semaphore_mem>>, %arg11: memref<!tpu.dma_semaphore, #tpu.memory_space<semaphore_mem>>, %arg12: memref<!tpu.dma_semaphore, #tpu.memory_space<semaphore_mem>>, %arg13: memref<!tpu.dma_semaphore, #tpu.memory_space<semaphore_mem>>) attributes {dimension_semantics = [#tpu.dimension_semantics<core_parallel>, #tpu.dimension_semantics<subcore_parallel>], iteration_bounds = array<i64: 2, 16>, scalar_prefetch = 0 : i64, scratch_operands = 8 : i64, tpu.core_type = #tpu.core_type<sc_vector_subcore>, window_params = [{transform_indices = #map}, {transform_indices = #map}, {transform_indices = #map}, {transform_indices = #map}]} {
    %mul3A = arith.constant 16 : i32
    %mul3A_0 = arith.muli %arg0, %mul3A : i32
    %add3A = arith.addi %mul3A_0, %arg1 : i32
    %broadcast_in_dim3A = arith.constant 0.000000e+00 : f32
    %broadcast_in_dim3A_1 = vector.broadcast %broadcast_in_dim3A : f32 to vector<16xf32>
    %scan3A = arith.constant 0 : i32
    %scan3A_2 = arith.constant 0 : i32
    %scan3A_3 = arith.constant 640 : i32
    %scan3A_4 = arith.addi %scan3A_2, %scan3A_3 : i32
    %scan3A_5 = arith.constant 1 : i32
    scf.for %scan3A_27 = %scan3A_2 to %scan3A_4 step %scan3A_5  : i32 {
      %jit3A = arith.constant 8 : i32
      %div3A = arith.divsi %scan3A_27, %jit3A : i32
      %sign3A = arith.constant 0 : i32
      %sign3A_28 = arith.cmpi sgt, %scan3A_27, %sign3A : i32
      %sign3A_29 = arith.extui %sign3A_28 : i1 to i32
      %sign3A_30 = arith.constant 0 : i32
      %sign3A_31 = arith.cmpi slt, %scan3A_27, %sign3A_30 : i32
      %sign3A_32 = arith.extui %sign3A_31 : i1 to i32
      %sign3A_33 = arith.subi %sign3A_29, %sign3A_32 : i32
      %sign3A_34 = arith.constant 0 : i32
      %sign3A_35 = arith.cmpi sgt, %jit3A, %sign3A_34 : i32
      %sign3A_36 = arith.extui %sign3A_35 : i1 to i32
      %sign3A_37 = arith.constant 0 : i32
      %sign3A_38 = arith.cmpi slt, %jit3A, %sign3A_37 : i32
      %sign3A_39 = arith.extui %sign3A_38 : i1 to i32
      %sign3A_40 = arith.subi %sign3A_36, %sign3A_39 : i32
      %ne3A = arith.cmpi ne, %sign3A_33, %sign3A_40 : i32
      %rem3A = arith.remsi %scan3A_27, %jit3A : i32
      %ne3A_41 = arith.constant 0 : i32
      %ne3A_42 = arith.cmpi ne, %rem3A, %ne3A_41 : i32
      %and3A = arith.andi %ne3A, %ne3A_42 : i1
      %sub3A = arith.constant 1 : i32
      %sub3A_43 = arith.subi %div3A, %sub3A : i32
      %select_n3A = arith.select %and3A, %sub3A_43, %div3A : i32
      %jit3A_44 = arith.constant 8 : i32
      %eq3A = arith.constant 0 : i32
      %eq3A_45 = arith.cmpi eq, %jit3A_44, %eq3A : i32
      %jit3A_46 = arith.constant 1 : i32
      %select_n3A_47 = arith.select %eq3A_45, %jit3A_46, %jit3A_44 : i32
      %rem3A_48 = arith.remsi %scan3A_27, %select_n3A_47 : i32
      %ne3A_49 = arith.constant 0 : i32
      %ne3A_50 = arith.cmpi ne, %rem3A_48, %ne3A_49 : i32
      %lt3A = arith.constant 0 : i32
      %lt3A_51 = arith.cmpi slt, %rem3A_48, %lt3A : i32
      %lt3A_52 = arith.constant 0 : i32
      %lt3A_53 = arith.cmpi slt, %select_n3A_47, %lt3A_52 : i32
      %ne3A_54 = arith.xori %lt3A_51, %lt3A_53 : i1
      %and3A_55 = arith.andi %ne3A_54, %ne3A_50 : i1
      %add3A_56 = arith.addi %rem3A_48, %select_n3A_47 : i32
      %select_n3A_57 = arith.select %and3A_55, %add3A_56, %rem3A_48 : i32
      %mul3A_58 = arith.constant 16 : i32
      %mul3A_59 = arith.muli %select_n3A_57, %mul3A_58 : i32
      %swap3A = arith.constant 0 : i32
      %swap3A_60 = arith.index_cast %swap3A : i32 to index
      %swap3A_61 = arith.index_cast %select_n3A : i32 to index
      %swap3A_62 = arith.index_cast %mul3A_59 : i32 to index
      %swap3A_63 = tpu.vector_load %arg8[%swap3A_60, %swap3A_61, %swap3A_62] {strides = array<i32>} : memref<2x128x128xf32, #tpu.memory_space<vmem>>, vector<1x1x16xf32>,
      %swap3A_64 = vector.shape_cast %swap3A_63 : vector<1x1x16xf32> to vector<16xf32>
      %swap3A_65 = vector.shape_cast %broadcast_in_dim3A_1 : vector<16xf32> to vector<1x1x16xf32>
      tpu.vector_store %arg8[%swap3A_60, %swap3A_61, %swap3A_62], %swap3A_65 {strides = array<i32>} : memref<2x128x128xf32, #tpu.memory_space<vmem>>, vector<1x1x16xf32>,
    }
    %scan3A_6 = arith.constant 640 : i32
    %scan3A_7 = arith.constant 0 : i32
    %scan3A_8 = arith.constant 0 : i32
    %scan3A_9 = arith.constant 8 : i32
    %scan3A_10 = arith.addi %scan3A_8, %scan3A_9 : i32
    %scan3A_11 = arith.constant 1 : i32
    scf.for %scan3A_27 = %scan3A_8 to %scan3A_10 step %scan3A_11  : i32 {
      %mul3A_28 = arith.constant 640 : i32
      %mul3A_29 = arith.muli %arg1, %mul3A_28 : i32
      %mul3A_30 = arith.constant 80 : i32
      %mul3A_31 = arith.muli %scan3A_27, %mul3A_30 : i32
      %add3A_32 = arith.addi %mul3A_29, %mul3A_31 : i32
      %run_scoped3A = arith.constant 0 : i32
      "tpu.region"() ({
        %run_scoped3A_33 = tpu.sem_alloc : memref<!tpu.dma_semaphore, #tpu.memory_space<semaphore_mem>>
        %dma_start3A = arith.constant 0 : i32
        %dma_start3A_34 = arith.constant 0 : i32
        %dma_start3A_35 = tpu.memref_slice %arg8[%run_scoped3A, %dma_start3A, %dma_start3A_34] : memref<2x128x128xf32, #tpu.memory_space<vmem>> -> memref<1x80x128xf32, #tpu.memory_space<vmem>>
        %dma_start3A_36 = tpu.memref_squeeze %dma_start3A_35 : memref<1x80x128xf32, #tpu.memory_space<vmem>> -> memref<80x128xf32, #tpu.memory_space<vmem>>
        %dma_start3A_37 = arith.constant 0 : i32
        %dma_start3A_38 = tpu.memref_slice %arg9[%add3A_32, %dma_start3A_37] : memref<10240x128xf32, #tpu.memory_space<vmem_shared>> -> memref<80x128xf32, #tpu.memory_space<vmem_shared>>
        %dma_start3A_39 = arith.constant 0 : i32
        %dma_start3A_40 = tpu.memref_slice %arg9[%add3A_32, %dma_start3A_39] : memref<10240x128xf32, #tpu.memory_space<vmem_shared>> -> memref<80x128xf32, #tpu.memory_space<vmem_shared>>
        %dma_start3A_41 = arith.constant 0 : i32
        %dma_start3A_42 = arith.constant 0 : i32
        %dma_start3A_43 = tpu.memref_slice %arg8[%run_scoped3A, %dma_start3A_41, %dma_start3A_42] : memref<2x128x128xf32, #tpu.memory_space<vmem>> -> memref<1x80x128xf32, #tpu.memory_space<vmem>>
        %dma_start3A_44 = tpu.memref_squeeze %dma_start3A_43 : memref<1x80x128xf32, #tpu.memory_space<vmem>> -> memref<80x128xf32, #tpu.memory_space<vmem>>
        tpu.enqueue_dma source(%dma_start3A_44 : memref<80x128xf32, #tpu.memory_space<vmem>>) target(%dma_start3A_40 : memref<80x128xf32, #tpu.memory_space<vmem_shared>>) target_semaphore(%run_scoped3A_33 : memref<!tpu.dma_semaphore, #tpu.memory_space<semaphore_mem>>)
        %dma_wait3A = arith.constant 0 : i32
        %dma_wait3A_45 = arith.constant 0 : i32
        %dma_wait3A_46 = tpu.memref_slice %arg8[%run_scoped3A, %dma_wait3A, %dma_wait3A_45] : memref<2x128x128xf32, #tpu.memory_space<vmem>> -> memref<1x80x128xf32, #tpu.memory_space<vmem>>
        %dma_wait3A_47 = tpu.memref_squeeze %dma_wait3A_46 : memref<1x80x128xf32, #tpu.memory_space<vmem>> -> memref<80x128xf32, #tpu.memory_space<vmem>>
        %dma_wait3A_48 = arith.constant 0 : i32
        %dma_wait3A_49 = tpu.memref_slice %arg9[%add3A_32, %dma_wait3A_48] : memref<10240x128xf32, #tpu.memory_space<vmem_shared>> -> memref<80x128xf32, #tpu.memory_space<vmem_shared>>
        %dma_wait3A_50 = arith.constant 0 : i32
        %dma_wait3A_51 = tpu.memref_slice %arg9[%add3A_32, %dma_wait3A_50] : memref<10240x128xf32, #tpu.memory_space<vmem_shared>> -> memref<80x128xf32, #tpu.memory_space<vmem_shared>>
        %dma_wait3A_52 = arith.constant 0 : i32
        %dma_wait3A_53 = arith.constant 0 : i32
        %dma_wait3A_54 = tpu.memref_slice %arg8[%run_scoped3A, %dma_wait3A_52, %dma_wait3A_53] : memref<2x128x128xf32, #tpu.memory_space<vmem>> -> memref<1x80x128xf32, #tpu.memory_space<vmem>>
        %dma_wait3A_55 = tpu.memref_squeeze %dma_wait3A_54 : memref<1x80x128xf32, #tpu.memory_space<vmem>> -> memref<80x128xf32, #tpu.memory_space<vmem>>
        tpu.wait_dma2 semaphore(%run_scoped3A_33 : memref<!tpu.dma_semaphore, #tpu.memory_space<semaphore_mem>>) src(%dma_wait3A_55 : memref<80x128xf32, #tpu.memory_space<vmem>>) dst(%dma_wait3A_51 : memref<80x128xf32, #tpu.memory_space<vmem_shared>>)
        tpu.yield
      }) : () -> ()
    }
    %scan3A_12 = arith.constant 8 : i32
    %barrier3A = arith.constant 0 : index
    tpu.barrier barrier_id(%barrier3A)
    %scan3A_13 = arith.constant 0 : i32
    %scan3A_14 = arith.constant 0 : i32
    %scan3A_15 = arith.constant 2 : i32
    %scan3A_16 = arith.addi %scan3A_14, %scan3A_15 : i32
    %scan3A_17 = arith.constant 1 : i32
    scf.for %scan3A_27 = %scan3A_14 to %scan3A_16 step %scan3A_17  : i32 {
      %mul3A_28 = arith.constant 80 : i32
      %mul3A_29 = arith.muli %add3A, %mul3A_28 : i32
      %mul3A_30 = arith.constant 40 : i32
      %mul3A_31 = arith.muli %scan3A_27, %mul3A_30 : i32
      %add3A_32 = arith.addi %mul3A_29, %mul3A_31 : i32
      "tpu.region"() ({
        %run_scoped3A = tpu.sem_alloc : memref<!tpu.dma_semaphore, #tpu.memory_space<semaphore_mem>>
        %dma_start3A_67 = arith.constant 0 : i32
        %dma_start3A_68 = tpu.memref_slice %arg3[%add3A_32, %dma_start3A_67] : memref<2560x128xi32, #tpu.memory_space<hbm>> -> memref<40x128xi32, #tpu.memory_space<hbm>>
        %dma_start3A_69 = arith.constant 0 : i32
        %dma_start3A_70 = tpu.memref_slice %arg3[%add3A_32, %dma_start3A_69] : memref<2560x128xi32, #tpu.memory_space<hbm>> -> memref<40x128xi32, #tpu.memory_space<hbm>>
        tpu.enqueue_dma source(%dma_start3A_70 : memref<40x128xi32, #tpu.memory_space<hbm>>) target(%arg6 : memref<40x128xi32, #tpu.memory_space<vmem>>) target_semaphore(%run_scoped3A : memref<!tpu.dma_semaphore, #tpu.memory_space<semaphore_mem>>)
        %dma_wait3A = arith.constant 0 : i32
        %dma_wait3A_71 = tpu.memref_slice %arg3[%add3A_32, %dma_wait3A] : memref<2560x128xi32, #tpu.memory_space<hbm>> -> memref<40x128xi32, #tpu.memory_space<hbm>>
        %dma_wait3A_72 = arith.constant 0 : i32
        %dma_wait3A_73 = tpu.memref_slice %arg3[%add3A_32, %dma_wait3A_72] : memref<2560x128xi32, #tpu.memory_space<hbm>> -> memref<40x128xi32, #tpu.memory_space<hbm>>
        tpu.wait_dma2 semaphore(%run_scoped3A : memref<!tpu.dma_semaphore, #tpu.memory_space<semaphore_mem>>) src(%dma_wait3A_73 : memref<40x128xi32, #tpu.memory_space<hbm>>) dst(%arg6 : memref<40x128xi32, #tpu.memory_space<vmem>>)
        tpu.yield
      }) : () -> ()
      %mul3A_33 = arith.constant 80 : i32
      %mul3A_34 = arith.muli %add3A, %mul3A_33 : i32
      %mul3A_35 = arith.constant 40 : i32
      %mul3A_36 = arith.muli %scan3A_27, %mul3A_35 : i32
      %add3A_37 = arith.addi %mul3A_34, %mul3A_36 : i32
      "tpu.region"() ({
        %run_scoped3A = tpu.sem_alloc : memref<!tpu.dma_semaphore, #tpu.memory_space<semaphore_mem>>
        %dma_start3A_67 = arith.constant 0 : i32
        %dma_start3A_68 = tpu.memref_slice %arg4[%add3A_37, %dma_start3A_67] : memref<2560x128xi32, #tpu.memory_space<hbm>> -> memref<40x128xi32, #tpu.memory_space<hbm>>
        %dma_start3A_69 = arith.constant 0 : i32
        %dma_start3A_70 = tpu.memref_slice %arg4[%add3A_37, %dma_start3A_69] : memref<2560x128xi32, #tpu.memory_space<hbm>> -> memref<40x128xi32, #tpu.memory_space<hbm>>
        tpu.enqueue_dma source(%dma_start3A_70 : memref<40x128xi32, #tpu.memory_space<hbm>>) target(%arg7 : memref<40x128xi32, #tpu.memory_space<vmem>>) target_semaphore(%run_scoped3A : memref<!tpu.dma_semaphore, #tpu.memory_space<semaphore_mem>>)
        %dma_wait3A = arith.constant 0 : i32
        %dma_wait3A_71 = tpu.memref_slice %arg4[%add3A_37, %dma_wait3A] : memref<2560x128xi32, #tpu.memory_space<hbm>> -> memref<40x128xi32, #tpu.memory_space<hbm>>
        %dma_wait3A_72 = arith.constant 0 : i32
        %dma_wait3A_73 = tpu.memref_slice %arg4[%add3A_37, %dma_wait3A_72] : memref<2560x128xi32, #tpu.memory_space<hbm>> -> memref<40x128xi32, #tpu.memory_space<hbm>>
        tpu.wait_dma2 semaphore(%run_scoped3A : memref<!tpu.dma_semaphore, #tpu.memory_space<semaphore_mem>>) src(%dma_wait3A_73 : memref<40x128xi32, #tpu.memory_space<hbm>>) dst(%arg7 : memref<40x128xi32, #tpu.memory_space<vmem>>)
        tpu.yield
      }) : () -> ()
      %dma_start3A = arith.constant 0 : i32
      %dma_start3A_38 = arith.constant 0 : i32
      %dma_start3A_39 = arith.constant 0 : i32
      %dma_start3A_40 = arith.constant 0 : i32
      %dma_start3A_41 = tpu.memref_slice %arg8[%dma_start3A_38, %dma_start3A_39, %dma_start3A_40] : memref<2x128x128xf32, #tpu.memory_space<vmem>> -> memref<1x128x128xf32, #tpu.memory_space<vmem>>
      %dma_start3A_42 = tpu.memref_squeeze %dma_start3A_41 : memref<1x128x128xf32, #tpu.memory_space<vmem>> -> memref<128x128xf32, #tpu.memory_space<vmem>>
      %dma_start3A_43 = arith.constant 0 : i32
      %dma_start3A_44 = tpu.memref_slice %arg6[%dma_start3A, %dma_start3A_43] : memref<40x128xi32, #tpu.memory_space<vmem>> -> memref<1x128xi32, #tpu.memory_space<vmem>>
      %dma_start3A_45 = tpu.memref_squeeze %dma_start3A_44 : memref<1x128xi32, #tpu.memory_space<vmem>> -> memref<128xi32, #tpu.memory_space<vmem>>
      %dma_start3A_46 = arith.constant 0 : i32
      %dma_start3A_47 = arith.constant 0 : i32
      %dma_start3A_48 = tpu.memref_slice %arg2[%dma_start3A_46, %dma_start3A_47] : memref<10000x128xf32, #tpu.memory_space<hbm>> -> memref<10000x128xf32, #tpu.memory_space<hbm>>
      tpu.enqueue_indirect_dma source(%dma_start3A_48 : memref<10000x128xf32, #tpu.memory_space<hbm>>) target(%dma_start3A_42 : memref<128x128xf32, #tpu.memory_space<vmem>>) offsets(%dma_start3A_45 : memref<128xi32, #tpu.memory_space<vmem>>) semaphore(%arg10 : memref<!tpu.dma_semaphore, #tpu.memory_space<semaphore_mem>>)
      %dma_start3A_49 = arith.constant 1 : i32
      %dma_start3A_50 = arith.constant 1 : i32
      %dma_start3A_51 = arith.constant 0 : i32
      %dma_start3A_52 = arith.constant 0 : i32
      %dma_start3A_53 = tpu.memref_slice %arg8[%dma_start3A_50, %dma_start3A_51, %dma_start3A_52] : memref<2x128x128xf32, #tpu.memory_space<vmem>> -> memref<1x128x128xf32, #tpu.memory_space<vmem>>
      %dma_start3A_54 = tpu.memref_squeeze %dma_start3A_53 : memref<1x128x128xf32, #tpu.memory_space<vmem>> -> memref<128x128xf32, #tpu.memory_space<vmem>>
      %dma_start3A_55 = arith.constant 0 : i32
      %dma_start3A_56 = tpu.memref_slice %arg6[%dma_start3A_49, %dma_start3A_55] : memref<40x128xi32, #tpu.memory_space<vmem>> -> memref<1x128xi32, #tpu.memory_space<vmem>>
      %dma_start3A_57 = tpu.memref_squeeze %dma_start3A_56 : memref<1x128xi32, #tpu.memory_space<vmem>> -> memref<128xi32, #tpu.memory_space<vmem>>
      %dma_start3A_58 = arith.constant 0 : i32
      %dma_start3A_59 = arith.constant 0 : i32
      %dma_start3A_60 = tpu.memref_slice %arg2[%dma_start3A_58, %dma_start3A_59] : memref<10000x128xf32, #tpu.memory_space<hbm>> -> memref<10000x128xf32, #tpu.memory_space<hbm>>
      tpu.enqueue_indirect_dma source(%dma_start3A_60 : memref<10000x128xf32, #tpu.memory_space<hbm>>) target(%dma_start3A_54 : memref<128x128xf32, #tpu.memory_space<vmem>>) offsets(%dma_start3A_57 : memref<128xi32, #tpu.memory_space<vmem>>) semaphore(%arg11 : memref<!tpu.dma_semaphore, #tpu.memory_space<semaphore_mem>>)
      %scan3A_61 = arith.constant 0 : i32
      %scan3A_62 = arith.constant 0 : i32
      %scan3A_63 = arith.constant 20 : i32
      %scan3A_64 = arith.addi %scan3A_62, %scan3A_63 : i32
      %scan3A_65 = arith.constant 1 : i32
      scf.for %scan3A_67 = %scan3A_62 to %scan3A_64 step %scan3A_65  : i32 {
        %mul3A_68 = arith.constant 2 : i32
        %mul3A_69 = arith.muli %scan3A_67, %mul3A_68 : i32
        %add3A_70 = arith.constant 0 : i32
        %add3A_71 = arith.addi %mul3A_69, %add3A_70 : i32
        %dma_wait3A = arith.constant 0 : i32
        %dma_wait3A_72 = arith.constant 0 : i32
        %dma_wait3A_73 = arith.constant 0 : i32
        %dma_wait3A_74 = tpu.memref_slice %arg8[%dma_wait3A, %dma_wait3A_72, %dma_wait3A_73] : memref<2x128x128xf32, #tpu.memory_space<vmem>> -> memref<1x128x128xf32, #tpu.memory_space<vmem>>
        %dma_wait3A_75 = tpu.memref_squeeze %dma_wait3A_74 : memref<1x128x128xf32, #tpu.memory_space<vmem>> -> memref<128x128xf32, #tpu.memory_space<vmem>>
        %dma_wait3A_76 = arith.constant 0 : i32
        %dma_wait3A_77 = tpu.memref_slice %arg6[%add3A_71, %dma_wait3A_76] : memref<40x128xi32, #tpu.memory_space<vmem>> -> memref<1x128xi32, #tpu.memory_space<vmem>>
        %dma_wait3A_78 = tpu.memref_squeeze %dma_wait3A_77 : memref<1x128xi32, #tpu.memory_space<vmem>> -> memref<128xi32, #tpu.memory_space<vmem>>
        %dma_wait3A_79 = arith.constant 0 : i32
        %dma_wait3A_80 = arith.constant 0 : i32
        %dma_wait3A_81 = tpu.memref_slice %arg2[%dma_wait3A_79, %dma_wait3A_80] : memref<10000x128xf32, #tpu.memory_space<hbm>> -> memref<10000x128xf32, #tpu.memory_space<hbm>>
        tpu.wait_indirect_dma semaphore(%arg10 : memref<!tpu.dma_semaphore, #tpu.memory_space<semaphore_mem>>) src(%dma_wait3A_81 : memref<10000x128xf32, #tpu.memory_space<hbm>>) dst(%dma_wait3A_75 : memref<128x128xf32, #tpu.memory_space<vmem>>)
        %run_scoped3A = arith.constant 0 : i32
        "tpu.region"() ({
          %run_scoped3A_109 = tpu.sem_alloc : memref<!tpu.dma_semaphore, #tpu.memory_space<semaphore_mem>>
          %dma_start3A_110 = arith.constant 0 : i32
          %dma_start3A_111 = arith.constant 0 : i32
          %dma_start3A_112 = tpu.memref_slice %arg8[%run_scoped3A, %dma_start3A_110, %dma_start3A_111] : memref<2x128x128xf32, #tpu.memory_space<vmem>> -> memref<1x128x128xf32, #tpu.memory_space<vmem>>
          %dma_start3A_113 = tpu.memref_squeeze %dma_start3A_112 : memref<1x128x128xf32, #tpu.memory_space<vmem>> -> memref<128x128xf32, #tpu.memory_space<vmem>>
          %dma_start3A_114 = arith.constant 0 : i32
          %dma_start3A_115 = tpu.memref_slice %arg7[%add3A_71, %dma_start3A_114] : memref<40x128xi32, #tpu.memory_space<vmem>> -> memref<1x128xi32, #tpu.memory_space<vmem>>
          %dma_start3A_116 = tpu.memref_squeeze %dma_start3A_115 : memref<1x128xi32, #tpu.memory_space<vmem>> -> memref<128xi32, #tpu.memory_space<vmem>>
          %dma_start3A_117 = arith.constant 0 : i32
          %dma_start3A_118 = arith.constant 0 : i32
          %dma_start3A_119 = tpu.memref_slice %arg9[%dma_start3A_117, %dma_start3A_118] : memref<10240x128xf32, #tpu.memory_space<vmem_shared>> -> memref<10240x128xf32, #tpu.memory_space<vmem_shared>>
          tpu.enqueue_indirect_dma source(%dma_start3A_113 : memref<128x128xf32, #tpu.memory_space<vmem>>) target(%dma_start3A_119 : memref<10240x128xf32, #tpu.memory_space<vmem_shared>>) offsets(%dma_start3A_116 : memref<128xi32, #tpu.memory_space<vmem>>) semaphore(%run_scoped3A_109 : memref<!tpu.dma_semaphore, #tpu.memory_space<semaphore_mem>>) {add = true}
          %dma_wait3A_120 = arith.constant 0 : i32
          %dma_wait3A_121 = arith.constant 0 : i32
          %dma_wait3A_122 = tpu.memref_slice %arg8[%run_scoped3A, %dma_wait3A_120, %dma_wait3A_121] : memref<2x128x128xf32, #tpu.memory_space<vmem>> -> memref<1x128x128xf32, #tpu.memory_space<vmem>>
          %dma_wait3A_123 = tpu.memref_squeeze %dma_wait3A_122 : memref<1x128x128xf32, #tpu.memory_space<vmem>> -> memref<128x128xf32, #tpu.memory_space<vmem>>
          %dma_wait3A_124 = arith.constant 0 : i32
          %dma_wait3A_125 = tpu.memref_slice %arg7[%add3A_71, %dma_wait3A_124] : memref<40x128xi32, #tpu.memory_space<vmem>> -> memref<1x128xi32, #tpu.memory_space<vmem>>
          %dma_wait3A_126 = tpu.memref_squeeze %dma_wait3A_125 : memref<1x128xi32, #tpu.memory_space<vmem>> -> memref<128xi32, #tpu.memory_space<vmem>>
          %dma_wait3A_127 = arith.constant 0 : i32
          %dma_wait3A_128 = arith.constant 0 : i32
          %dma_wait3A_129 = tpu.memref_slice %arg9[%dma_wait3A_127, %dma_wait3A_128] : memref<10240x128xf32, #tpu.memory_space<vmem_shared>> -> memref<10240x128xf32, #tpu.memory_space<vmem_shared>>
          tpu.wait_indirect_dma semaphore(%run_scoped3A_109 : memref<!tpu.dma_semaphore, #tpu.memory_space<semaphore_mem>>) src(%dma_wait3A_123 : memref<128x128xf32, #tpu.memory_space<vmem>>) dst(%dma_wait3A_129 : memref<10240x128xf32, #tpu.memory_space<vmem_shared>>)
          tpu.yield
        }) : () -> ()
        %add3A_82 = arith.constant 2 : i32
        %add3A_83 = arith.addi %add3A_71, %add3A_82 : i32
        %lt3A = arith.constant 40 : i32
        %lt3A_84 = arith.cmpi slt, %add3A_83, %lt3A : i32
        %convert_element_type3A = arith.extui %lt3A_84 : i1 to i32
        %cond3A = arith.constant 0 : i32
        %cond3A_85 = arith.cmpi ne, %convert_element_type3A, %cond3A : i32
        scf.if %cond3A_85 {
          %dma_start3A_109 = arith.constant 0 : i32
          %dma_start3A_110 = arith.constant 0 : i32
          %dma_start3A_111 = arith.constant 0 : i32
          %dma_start3A_112 = tpu.memref_slice %arg8[%dma_start3A_109, %dma_start3A_110, %dma_start3A_111] : memref<2x128x128xf32, #tpu.memory_space<vmem>> -> memref<1x128x128xf32, #tpu.memory_space<vmem>>
          %dma_start3A_113 = tpu.memref_squeeze %dma_start3A_112 : memref<1x128x128xf32, #tpu.memory_space<vmem>> -> memref<128x128xf32, #tpu.memory_space<vmem>>
          %dma_start3A_114 = arith.constant 0 : i32
          %dma_start3A_115 = tpu.memref_slice %arg6[%add3A_83, %dma_start3A_114] : memref<40x128xi32, #tpu.memory_space<vmem>> -> memref<1x128xi32, #tpu.memory_space<vmem>>
          %dma_start3A_116 = tpu.memref_squeeze %dma_start3A_115 : memref<1x128xi32, #tpu.memory_space<vmem>> -> memref<128xi32, #tpu.memory_space<vmem>>
          %dma_start3A_117 = arith.constant 0 : i32
          %dma_start3A_118 = arith.constant 0 : i32
          %dma_start3A_119 = tpu.memref_slice %arg2[%dma_start3A_117, %dma_start3A_118] : memref<10000x128xf32, #tpu.memory_space<hbm>> -> memref<10000x128xf32, #tpu.memory_space<hbm>>
          tpu.enqueue_indirect_dma source(%dma_start3A_119 : memref<10000x128xf32, #tpu.memory_space<hbm>>) target(%dma_start3A_113 : memref<128x128xf32, #tpu.memory_space<vmem>>) offsets(%dma_start3A_116 : memref<128xi32, #tpu.memory_space<vmem>>) semaphore(%arg10 : memref<!tpu.dma_semaphore, #tpu.memory_space<semaphore_mem>>)
        } else {
        }
        %mul3A_86 = arith.constant 2 : i32
        %mul3A_87 = arith.muli %scan3A_67, %mul3A_86 : i32
        %add3A_88 = arith.constant 1 : i32
        %add3A_89 = arith.addi %mul3A_87, %add3A_88 : i32
        %dma_wait3A_90 = arith.constant 1 : i32
        %dma_wait3A_91 = arith.constant 0 : i32
        %dma_wait3A_92 = arith.constant 0 : i32
        %dma_wait3A_93 = tpu.memref_slice %arg8[%dma_wait3A_90, %dma_wait3A_91, %dma_wait3A_92] : memref<2x128x128xf32, #tpu.memory_space<vmem>> -> memref<1x128x128xf32, #tpu.memory_space<vmem>>
        %dma_wait3A_94 = tpu.memref_squeeze %dma_wait3A_93 : memref<1x128x128xf32, #tpu.memory_space<vmem>> -> memref<128x128xf32, #tpu.memory_space<vmem>>
        %dma_wait3A_95 = arith.constant 0 : i32
        %dma_wait3A_96 = tpu.memref_slice %arg6[%add3A_89, %dma_wait3A_95] : memref<40x128xi32, #tpu.memory_space<vmem>> -> memref<1x128xi32, #tpu.memory_space<vmem>>
        %dma_wait3A_97 = tpu.memref_squeeze %dma_wait3A_96 : memref<1x128xi32, #tpu.memory_space<vmem>> -> memref<128xi32, #tpu.memory_space<vmem>>
        %dma_wait3A_98 = arith.constant 0 : i32
        %dma_wait3A_99 = arith.constant 0 : i32
        %dma_wait3A_100 = tpu.memref_slice %arg2[%dma_wait3A_98, %dma_wait3A_99] : memref<10000x128xf32, #tpu.memory_space<hbm>> -> memref<10000x128xf32, #tpu.memory_space<hbm>>
        tpu.wait_indirect_dma semaphore(%arg11 : memref<!tpu.dma_semaphore, #tpu.memory_space<semaphore_mem>>) src(%dma_wait3A_100 : memref<10000x128xf32, #tpu.memory_space<hbm>>) dst(%dma_wait3A_94 : memref<128x128xf32, #tpu.memory_space<vmem>>)
        %run_scoped3A_101 = arith.constant 1 : i32
        "tpu.region"() ({
          %run_scoped3A_109 = tpu.sem_alloc : memref<!tpu.dma_semaphore, #tpu.memory_space<semaphore_mem>>
          %dma_start3A_110 = arith.constant 0 : i32
          %dma_start3A_111 = arith.constant 0 : i32
          %dma_start3A_112 = tpu.memref_slice %arg8[%run_scoped3A_101, %dma_start3A_110, %dma_start3A_111] : memref<2x128x128xf32, #tpu.memory_space<vmem>> -> memref<1x128x128xf32, #tpu.memory_space<vmem>>
          %dma_start3A_113 = tpu.memref_squeeze %dma_start3A_112 : memref<1x128x128xf32, #tpu.memory_space<vmem>> -> memref<128x128xf32, #tpu.memory_space<vmem>>
          %dma_start3A_114 = arith.constant 0 : i32
          %dma_start3A_115 = tpu.memref_slice %arg7[%add3A_89, %dma_start3A_114] : memref<40x128xi32, #tpu.memory_space<vmem>> -> memref<1x128xi32, #tpu.memory_space<vmem>>
          %dma_start3A_116 = tpu.memref_squeeze %dma_start3A_115 : memref<1x128xi32, #tpu.memory_space<vmem>> -> memref<128xi32, #tpu.memory_space<vmem>>
          %dma_start3A_117 = arith.constant 0 : i32
          %dma_start3A_118 = arith.constant 0 : i32
          %dma_start3A_119 = tpu.memref_slice %arg9[%dma_start3A_117, %dma_start3A_118] : memref<10240x128xf32, #tpu.memory_space<vmem_shared>> -> memref<10240x128xf32, #tpu.memory_space<vmem_shared>>
          tpu.enqueue_indirect_dma source(%dma_start3A_113 : memref<128x128xf32, #tpu.memory_space<vmem>>) target(%dma_start3A_119 : memref<10240x128xf32, #tpu.memory_space<vmem_shared>>) offsets(%dma_start3A_116 : memref<128xi32, #tpu.memory_space<vmem>>) semaphore(%run_scoped3A_109 : memref<!tpu.dma_semaphore, #tpu.memory_space<semaphore_mem>>) {add = true}
          %dma_wait3A_120 = arith.constant 0 : i32
          %dma_wait3A_121 = arith.constant 0 : i32
          %dma_wait3A_122 = tpu.memref_slice %arg8[%run_scoped3A_101, %dma_wait3A_120, %dma_wait3A_121] : memref<2x128x128xf32, #tpu.memory_space<vmem>> -> memref<1x128x128xf32, #tpu.memory_space<vmem>>
          %dma_wait3A_123 = tpu.memref_squeeze %dma_wait3A_122 : memref<1x128x128xf32, #tpu.memory_space<vmem>> -> memref<128x128xf32, #tpu.memory_space<vmem>>
          %dma_wait3A_124 = arith.constant 0 : i32
          %dma_wait3A_125 = tpu.memref_slice %arg7[%add3A_89, %dma_wait3A_124] : memref<40x128xi32, #tpu.memory_space<vmem>> -> memref<1x128xi32, #tpu.memory_space<vmem>>
          %dma_wait3A_126 = tpu.memref_squeeze %dma_wait3A_125 : memref<1x128xi32, #tpu.memory_space<vmem>> -> memref<128xi32, #tpu.memory_space<vmem>>
          %dma_wait3A_127 = arith.constant 0 : i32
          %dma_wait3A_128 = arith.constant 0 : i32
          %dma_wait3A_129 = tpu.memref_slice %arg9[%dma_wait3A_127, %dma_wait3A_128] : memref<10240x128xf32, #tpu.memory_space<vmem_shared>> -> memref<10240x128xf32, #tpu.memory_space<vmem_shared>>
          tpu.wait_indirect_dma semaphore(%run_scoped3A_109 : memref<!tpu.dma_semaphore, #tpu.memory_space<semaphore_mem>>) src(%dma_wait3A_123 : memref<128x128xf32, #tpu.memory_space<vmem>>) dst(%dma_wait3A_129 : memref<10240x128xf32, #tpu.memory_space<vmem_shared>>)
          tpu.yield
        }) : () -> ()
        %add3A_102 = arith.constant 2 : i32
        %add3A_103 = arith.addi %add3A_89, %add3A_102 : i32
        %lt3A_104 = arith.constant 40 : i32
        %lt3A_105 = arith.cmpi slt, %add3A_103, %lt3A_104 : i32
        %convert_element_type3A_106 = arith.extui %lt3A_105 : i1 to i32
        %cond3A_107 = arith.constant 0 : i32
        %cond3A_108 = arith.cmpi ne, %convert_element_type3A_106, %cond3A_107 : i32
        scf.if %cond3A_108 {
          %dma_start3A_109 = arith.constant 1 : i32
          %dma_start3A_110 = arith.constant 0 : i32
          %dma_start3A_111 = arith.constant 0 : i32
          %dma_start3A_112 = tpu.memref_slice %arg8[%dma_start3A_109, %dma_start3A_110, %dma_start3A_111] : memref<2x128x128xf32, #tpu.memory_space<vmem>> -> memref<1x128x128xf32, #tpu.memory_space<vmem>>
          %dma_start3A_113 = tpu.memref_squeeze %dma_start3A_112 : memref<1x128x128xf32, #tpu.memory_space<vmem>> -> memref<128x128xf32, #tpu.memory_space<vmem>>
          %dma_start3A_114 = arith.constant 0 : i32
          %dma_start3A_115 = tpu.memref_slice %arg6[%add3A_103, %dma_start3A_114] : memref<40x128xi32, #tpu.memory_space<vmem>> -> memref<1x128xi32, #tpu.memory_space<vmem>>
          %dma_start3A_116 = tpu.memref_squeeze %dma_start3A_115 : memref<1x128xi32, #tpu.memory_space<vmem>> -> memref<128xi32, #tpu.memory_space<vmem>>
          %dma_start3A_117 = arith.constant 0 : i32
          %dma_start3A_118 = arith.constant 0 : i32
          %dma_start3A_119 = tpu.memref_slice %arg2[%dma_start3A_117, %dma_start3A_118] : memref<10000x128xf32, #tpu.memory_space<hbm>> -> memref<10000x128xf32, #tpu.memory_space<hbm>>
          tpu.enqueue_indirect_dma source(%dma_start3A_119 : memref<10000x128xf32, #tpu.memory_space<hbm>>) target(%dma_start3A_113 : memref<128x128xf32, #tpu.memory_space<vmem>>) offsets(%dma_start3A_116 : memref<128xi32, #tpu.memory_space<vmem>>) semaphore(%arg11 : memref<!tpu.dma_semaphore, #tpu.memory_space<semaphore_mem>>)
        } else {
        }
      }
      %scan3A_66 = arith.constant 20 : i32
    }
    %scan3A_18 = arith.constant 2 : i32
    %barrier3A_19 = arith.constant 0 : index
    tpu.barrier barrier_id(%barrier3A_19)
    %mul3A_20 = arith.constant 640 : i32
    %mul3A_21 = arith.muli %arg1, %mul3A_20 : i32
    %mul3A_22 = arith.constant 10240 : i32
    %mul3A_23 = arith.muli %arg0, %mul3A_22 : i32
    %mul3A_24 = arith.constant 640 : i32
    %mul3A_25 = arith.muli %arg1, %mul3A_24 : i32
    %add3A_26 = arith.addi %mul3A_23, %mul3A_25 : i32
    "tpu.region"() ({
      %run_scoped3A = tpu.sem_alloc : memref<!tpu.dma_semaphore, #tpu.memory_space<semaphore_mem>>
      %dma_start3A = arith.constant 0 : i32
      %dma_start3A_27 = tpu.memref_slice %arg5[%add3A_26, %dma_start3A] : memref<20480x128xf32, #tpu.memory_space<hbm>> -> memref<640x128xf32, #tpu.memory_space<hbm>>
      %dma_start3A_28 = arith.constant 0 : i32
      %dma_start3A_29 = tpu.memref_slice %arg9[%mul3A_21, %dma_start3A_28] : memref<10240x128xf32, #tpu.memory_space<vmem_shared>> -> memref<640x128xf32, #tpu.memory_space<vmem_shared>>
      tpu.enqueue_dma source(%dma_start3A_29 : memref<640x128xf32, #tpu.memory_space<vmem_shared>>) target(%dma_start3A_27 : memref<640x128xf32, #tpu.memory_space<hbm>>) target_semaphore(%run_scoped3A : memref<!tpu.dma_semaphore, #tpu.memory_space<semaphore_mem>>)
      %dma_wait3A = arith.constant 0 : i32
      %dma_wait3A_30 = tpu.memref_slice %arg5[%add3A_26, %dma_wait3A] : memref<20480x128xf32, #tpu.memory_space<hbm>> -> memref<640x128xf32, #tpu.memory_space<hbm>>
      %dma_wait3A_31 = arith.constant 0 : i32
      %dma_wait3A_32 = tpu.memref_slice %arg9[%mul3A_21, %dma_wait3A_31] : memref<10240x128xf32, #tpu.memory_space<vmem_shared>> -> memref<640x128xf32, #tpu.memory_space<vmem_shared>>
      tpu.wait_dma2 semaphore(%run_scoped3A : memref<!tpu.dma_semaphore, #tpu.memory_space<semaphore_mem>>) src(%dma_wait3A_32 : memref<640x128xf32, #tpu.memory_space<vmem_shared>>) dst(%dma_wait3A_30 : memref<640x128xf32, #tpu.memory_space<hbm>>)
      tpu.yield
    }) : () -> ()
    return
  }
}

module attributes {stable_mosaic.version = 14 : i64} {
  func.func @_in_proj_body(%arg0: i32, %arg1: memref<2000x8xf32, #tpu.memory_space<vmem>>, %arg2: memref<8x128xf32, #tpu.memory_space<vmem>>, %arg3: memref<1x128xf32, #tpu.memory_space<vmem>>, %arg4: memref<2000x128xf32, #tpu.memory_space<vmem>>) attributes {dimension_semantics = [#tpu.dimension_semantics<arbitrary>], iteration_bounds = array<i64: 5>, scalar_prefetch = 0 : i64, scratch_operands = 0 : i64, tpu.core_type = #tpu.core_type<tc>, window_params = [{transform_indices = @transform_0, window_bounds = array<i64: 2000, 8>}, {pipeline_mode = #tpu.pipeline_mode<synchronous>, transform_indices = @transform_1, window_bounds = array<i64: 8, 128>}, {pipeline_mode = #tpu.pipeline_mode<synchronous>, transform_indices = @transform_2, window_bounds = array<i64: 1, 128>}, {transform_indices = @transform_3, window_bounds = array<i64: 2000, 128>}]} {
    %get3A = arith.constant 0 : index
    %get3A_0 = arith.constant 0 : index
    %get3A_1 = vector.load %arg1[%get3A, %get3A_0] : memref<2000x8xf32, #tpu.memory_space<vmem>>, vector<2000x8xf32>
    %get3A_2 = arith.constant 0 : index
    %get3A_3 = arith.constant 0 : index
    %get3A_4 = vector.load %arg2[%get3A_2, %get3A_3] : memref<8x128xf32, #tpu.memory_space<vmem>>, vector<8x128xf32>
    %dot_general3A = arith.constant dense<0.000000e+00> : vector<2000x128xf32>
    %dot_general3A_5 = tpu.matmul %get3A_1, %get3A_4, %dot_general3A {dimension_numbers = #tpu.dot_dimension_numbers<[1], [0], [0], [1], [0, 0, 1, 1], [], []>, transpose_lhs_hint = false} : vector<2000x8xf32>, vector<8x128xf32>, vector<2000x128xf32> -> vector<2000x128xf32>
    %get3A_6 = arith.constant 0 : index
    %get3A_7 = arith.constant 0 : index
    %get3A_8 = vector.load %arg3[%get3A_6, %get3A_7] : memref<1x128xf32, #tpu.memory_space<vmem>>, vector<1x128xf32>
    %add3A = vector.broadcast %get3A_8 : vector<1x128xf32> to vector<2000x128xf32>
    %add3A_9 = arith.addf %dot_general3A_5, %add3A : vector<2000x128xf32>
    %max3A = arith.constant 0.000000e+00 : f32
    %max3A_10 = vector.broadcast %max3A : f32 to vector<2000x128xf32>
    %max3A_11 = arith.maximumf %add3A_9, %max3A_10 : vector<2000x128xf32>
    %swap3A = arith.constant 0 : index
    %swap3A_12 = arith.constant 0 : index
    %swap3A_13 = vector.load %arg4[%swap3A, %swap3A_12] : memref<2000x128xf32, #tpu.memory_space<vmem>>, vector<2000x128xf32>
    tpu.vector_store %arg4[%swap3A, %swap3A_12], %max3A_11 {strides = array<i32>} : memref<2000x128xf32, #tpu.memory_space<vmem>>, vector<2000x128xf32>,
    return
  }
  func.func @transform_0(%arg0: i32) -> (i32, i32) {
    %c0_i32 = arith.constant 0 : i32
    %c0_i32_0 = arith.constant 0 : i32
    return %arg0, %c0_i32 : i32, i32
  }
  func.func @transform_1(%arg0: i32) -> (i32, i32) {
    %c0_i32 = arith.constant 0 : i32
    %c0_i32_0 = arith.constant 0 : i32
    %c0_i32_1 = arith.constant 0 : i32
    return %c0_i32, %c0_i32_0 : i32, i32
  }
  func.func @transform_2(%arg0: i32) -> (i32, i32) {
    %c0_i32 = arith.constant 0 : i32
    %c0_i32_0 = arith.constant 0 : i32
    %c0_i32_1 = arith.constant 0 : i32
    return %c0_i32, %c0_i32_0 : i32, i32
  }
  func.func @transform_3(%arg0: i32) -> (i32, i32) {
    %c0_i32 = arith.constant 0 : i32
    %c0_i32_0 = arith.constant 0 : i32
    return %arg0, %c0_i32 : i32, i32
  }
}

module attributes {stable_mosaic.version = 14 : i64} {
  func.func @_layer_body(%arg0: i32, %arg1: memref<2x2000x128xf32, #tpu.memory_space<vmem>>, %arg2: memref<2000x128xf32, #tpu.memory_space<vmem>>, %arg3: memref<128x128xf32, #tpu.memory_space<vmem>>, %arg4: memref<128x128xf32, #tpu.memory_space<vmem>>, %arg5: memref<1x128xf32, #tpu.memory_space<vmem>>, %arg6: memref<2000x128xf32, #tpu.memory_space<vmem>>) attributes {dimension_semantics = [#tpu.dimension_semantics<arbitrary>], iteration_bounds = array<i64: 5>, scalar_prefetch = 0 : i64, scratch_operands = 0 : i64, tpu.core_type = #tpu.core_type<tc>, window_params = [{transform_indices = @transform_0, window_bounds = array<i64: 2, 2000, 128>}, {transform_indices = @transform_1, window_bounds = array<i64: 2000, 128>}, {pipeline_mode = #tpu.pipeline_mode<synchronous>, transform_indices = @transform_2, window_bounds = array<i64: 128, 128>}, {pipeline_mode = #tpu.pipeline_mode<synchronous>, transform_indices = @transform_3, window_bounds = array<i64: 128, 128>}, {pipeline_mode = #tpu.pipeline_mode<synchronous>, transform_indices = @transform_4, window_bounds = array<i64: 1, 128>}, {transform_indices = @transform_5, window_bounds = array<i64: 2000, 128>}]} {
    %get3A = arith.constant 0 : index
    %get3A_0 = arith.constant 0 : index
    %get3A_1 = arith.constant 0 : index
    %get3A_2 = vector.load %arg1[%get3A, %get3A_0, %get3A_1] : memref<2x2000x128xf32, #tpu.memory_space<vmem>>, vector<1x2000x128xf32>
    %get3A_3 = vector.shape_cast %get3A_2 : vector<1x2000x128xf32> to vector<2000x128xf32>
    %get3A_4 = arith.constant 1 : index
    %get3A_5 = arith.constant 0 : index
    %get3A_6 = arith.constant 0 : index
    %get3A_7 = vector.load %arg1[%get3A_4, %get3A_5, %get3A_6] : memref<2x2000x128xf32, #tpu.memory_space<vmem>>, vector<1x2000x128xf32>
    %get3A_8 = vector.shape_cast %get3A_7 : vector<1x2000x128xf32> to vector<2000x128xf32>
    %add3A = arith.addf %get3A_3, %get3A_8 : vector<2000x128xf32>
    %get3A_9 = arith.constant 0 : index
    %get3A_10 = arith.constant 0 : index
    %get3A_11 = vector.load %arg3[%get3A_9, %get3A_10] : memref<128x128xf32, #tpu.memory_space<vmem>>, vector<128x128xf32>
    %dot_general3A = arith.constant dense<0.000000e+00> : vector<2000x128xf32>
    %dot_general3A_12 = tpu.matmul %add3A, %get3A_11, %dot_general3A {dimension_numbers = #tpu.dot_dimension_numbers<[1], [0], [0], [1], [0, 0, 1, 1], [], []>, transpose_lhs_hint = false} : vector<2000x128xf32>, vector<128x128xf32>, vector<2000x128xf32> -> vector<2000x128xf32>
    %get3A_13 = arith.constant 0 : index
    %get3A_14 = arith.constant 0 : index
    %get3A_15 = vector.load %arg2[%get3A_13, %get3A_14] : memref<2000x128xf32, #tpu.memory_space<vmem>>, vector<2000x128xf32>
    %get3A_16 = arith.constant 0 : index
    %get3A_17 = arith.constant 0 : index
    %get3A_18 = vector.load %arg4[%get3A_16, %get3A_17] : memref<128x128xf32, #tpu.memory_space<vmem>>, vector<128x128xf32>
    %dot_general3A_19 = arith.constant dense<0.000000e+00> : vector<2000x128xf32>
    %dot_general3A_20 = tpu.matmul %get3A_15, %get3A_18, %dot_general3A_19 {dimension_numbers = #tpu.dot_dimension_numbers<[1], [0], [0], [1], [0, 0, 1, 1], [], []>, transpose_lhs_hint = false} : vector<2000x128xf32>, vector<128x128xf32>, vector<2000x128xf32> -> vector<2000x128xf32>
    %add3A_21 = arith.addf %dot_general3A_12, %dot_general3A_20 : vector<2000x128xf32>
    %get3A_22 = arith.constant 0 : index
    %get3A_23 = arith.constant 0 : index
    %get3A_24 = vector.load %arg5[%get3A_22, %get3A_23] : memref<1x128xf32, #tpu.memory_space<vmem>>, vector<1x128xf32>
    %add3A_25 = vector.broadcast %get3A_24 : vector<1x128xf32> to vector<2000x128xf32>
    %add3A_26 = arith.addf %add3A_21, %add3A_25 : vector<2000x128xf32>
    %max3A = arith.constant 0.000000e+00 : f32
    %max3A_27 = vector.broadcast %max3A : f32 to vector<2000x128xf32>
    %max3A_28 = arith.maximumf %add3A_26, %max3A_27 : vector<2000x128xf32>
    %swap3A = arith.constant 0 : index
    %swap3A_29 = arith.constant 0 : index
    %swap3A_30 = vector.load %arg6[%swap3A, %swap3A_29] : memref<2000x128xf32, #tpu.memory_space<vmem>>, vector<2000x128xf32>
    tpu.vector_store %arg6[%swap3A, %swap3A_29], %max3A_28 {strides = array<i32>} : memref<2000x128xf32, #tpu.memory_space<vmem>>, vector<2000x128xf32>,
    return
  }
  func.func @transform_0(%arg0: i32) -> (i32, i32, i32) {
    %c0_i32 = arith.constant 0 : i32
    %c0_i32_0 = arith.constant 0 : i32
    %c0_i32_1 = arith.constant 0 : i32
    return %c0_i32, %arg0, %c0_i32_0 : i32, i32, i32
  }
  func.func @transform_1(%arg0: i32) -> (i32, i32) {
    %c0_i32 = arith.constant 0 : i32
    %c0_i32_0 = arith.constant 0 : i32
    return %arg0, %c0_i32 : i32, i32
  }
  func.func @transform_2(%arg0: i32) -> (i32, i32) {
    %c0_i32 = arith.constant 0 : i32
    %c0_i32_0 = arith.constant 0 : i32
    %c0_i32_1 = arith.constant 0 : i32
    return %c0_i32, %c0_i32_0 : i32, i32
  }
  func.func @transform_3(%arg0: i32) -> (i32, i32) {
    %c0_i32 = arith.constant 0 : i32
    %c0_i32_0 = arith.constant 0 : i32
    %c0_i32_1 = arith.constant 0 : i32
    return %c0_i32, %c0_i32_0 : i32, i32
  }
  func.func @transform_4(%arg0: i32) -> (i32, i32) {
    %c0_i32 = arith.constant 0 : i32
    %c0_i32_0 = arith.constant 0 : i32
    %c0_i32_1 = arith.constant 0 : i32
    return %c0_i32, %c0_i32_0 : i32, i32
  }
  func.func @transform_5(%arg0: i32) -> (i32, i32) {
    %c0_i32 = arith.constant 0 : i32
    %c0_i32_0 = arith.constant 0 : i32
    return %arg0, %c0_i32 : i32, i32
  }
}

module attributes {stable_mosaic.version = 14 : i64} {
  func.func @_head_body(%arg0: i32, %arg1: memref<2000x128xf32, #tpu.memory_space<vmem>>, %arg2: memref<128x64xf32, #tpu.memory_space<vmem>>, %arg3: memref<1x64xf32, #tpu.memory_space<vmem>>, %arg4: memref<64x1xf32, #tpu.memory_space<vmem>>, %arg5: memref<1x1xf32, #tpu.memory_space<vmem>>, %arg6: memref<2000x1xf32, #tpu.memory_space<vmem>>) attributes {dimension_semantics = [#tpu.dimension_semantics<arbitrary>], iteration_bounds = array<i64: 5>, scalar_prefetch = 0 : i64, scratch_operands = 0 : i64, tpu.core_type = #tpu.core_type<tc>, window_params = [{transform_indices = @transform_0, window_bounds = array<i64: 2000, 128>}, {pipeline_mode = #tpu.pipeline_mode<synchronous>, transform_indices = @transform_1, window_bounds = array<i64: 128, 64>}, {pipeline_mode = #tpu.pipeline_mode<synchronous>, transform_indices = @transform_2, window_bounds = array<i64: 1, 64>}, {pipeline_mode = #tpu.pipeline_mode<synchronous>, transform_indices = @transform_3, window_bounds = array<i64: 64, 1>}, {pipeline_mode = #tpu.pipeline_mode<synchronous>, transform_indices = @transform_4, window_bounds = array<i64: 1, 1>}, {transform_indices = @transform_5, window_bounds = array<i64: 2000, 1>}]} {
    %get3A = arith.constant 0 : index
    %get3A_0 = arith.constant 0 : index
    %get3A_1 = vector.load %arg1[%get3A, %get3A_0] : memref<2000x128xf32, #tpu.memory_space<vmem>>, vector<2000x128xf32>
    %get3A_2 = arith.constant 0 : index
    %get3A_3 = arith.constant 0 : index
    %get3A_4 = vector.load %arg2[%get3A_2, %get3A_3] : memref<128x64xf32, #tpu.memory_space<vmem>>, vector<128x64xf32>
    %dot_general3A = arith.constant dense<0.000000e+00> : vector<2000x64xf32>
    %dot_general3A_5 = tpu.matmul %get3A_1, %get3A_4, %dot_general3A {dimension_numbers = #tpu.dot_dimension_numbers<[1], [0], [0], [1], [0, 0, 1, 1], [], []>, transpose_lhs_hint = false} : vector<2000x128xf32>, vector<128x64xf32>, vector<2000x64xf32> -> vector<2000x64xf32>
    %get3A_6 = arith.constant 0 : index
    %get3A_7 = arith.constant 0 : index
    %get3A_8 = vector.load %arg3[%get3A_6, %get3A_7] : memref<1x64xf32, #tpu.memory_space<vmem>>, vector<1x64xf32>
    %add3A = vector.broadcast %get3A_8 : vector<1x64xf32> to vector<2000x64xf32>
    %add3A_9 = arith.addf %dot_general3A_5, %add3A : vector<2000x64xf32>
    %max3A = arith.constant 0.000000e+00 : f32
    %max3A_10 = vector.broadcast %max3A : f32 to vector<2000x64xf32>
    %max3A_11 = arith.maximumf %add3A_9, %max3A_10 : vector<2000x64xf32>
    %get3A_12 = arith.constant 0 : index
    %get3A_13 = arith.constant 0 : index
    %get3A_14 = vector.load %arg4[%get3A_12, %get3A_13] : memref<64x1xf32, #tpu.memory_space<vmem>>, vector<64x1xf32>
    %dot_general3A_15 = arith.constant dense<0.000000e+00> : vector<2000x1xf32>
    %dot_general3A_16 = tpu.matmul %max3A_11, %get3A_14, %dot_general3A_15 {dimension_numbers = #tpu.dot_dimension_numbers<[1], [0], [0], [1], [0, 0, 1, 1], [], []>, transpose_lhs_hint = false} : vector<2000x64xf32>, vector<64x1xf32>, vector<2000x1xf32> -> vector<2000x1xf32>
    %get3A_17 = arith.constant 0 : index
    %get3A_18 = arith.constant 0 : index
    %get3A_19 = vector.load %arg5[%get3A_17, %get3A_18] : memref<1x1xf32, #tpu.memory_space<vmem>>, vector<1x1xf32>
    %add3A_20 = vector.broadcast %get3A_19 : vector<1x1xf32> to vector<2000x1xf32>
    %add3A_21 = arith.addf %dot_general3A_16, %add3A_20 : vector<2000x1xf32>
    %logistic3A = arith.negf %add3A_21 : vector<2000x1xf32>
    %logistic3A_22 = math.exp %logistic3A : vector<2000x1xf32>
    %logistic3A_23 = arith.constant 1.000000e+00 : f32
    %logistic3A_24 = vector.broadcast %logistic3A_23 : f32 to vector<2000x1xf32>
    %logistic3A_25 = arith.addf %logistic3A_24, %logistic3A_22 : vector<2000x1xf32>
    %logistic3A_26 = arith.divf %logistic3A_24, %logistic3A_25 : vector<2000x1xf32>
    %swap3A = arith.constant 0 : index
    %swap3A_27 = arith.constant 0 : index
    %swap3A_28 = vector.load %arg6[%swap3A, %swap3A_27] : memref<2000x1xf32, #tpu.memory_space<vmem>>, vector<2000x1xf32>
    tpu.vector_store %arg6[%swap3A, %swap3A_27], %logistic3A_26 {strides = array<i32>} : memref<2000x1xf32, #tpu.memory_space<vmem>>, vector<2000x1xf32>,
    return
  }
  func.func @transform_0(%arg0: i32) -> (i32, i32) {
    %c0_i32 = arith.constant 0 : i32
    %c0_i32_0 = arith.constant 0 : i32
    return %arg0, %c0_i32 : i32, i32
  }
  func.func @transform_1(%arg0: i32) -> (i32, i32) {
    %c0_i32 = arith.constant 0 : i32
    %c0_i32_0 = arith.constant 0 : i32
    %c0_i32_1 = arith.constant 0 : i32
    return %c0_i32, %c0_i32_0 : i32, i32
  }
  func.func @transform_2(%arg0: i32) -> (i32, i32) {
    %c0_i32 = arith.constant 0 : i32
    %c0_i32_0 = arith.constant 0 : i32
    %c0_i32_1 = arith.constant 0 : i32
    return %c0_i32, %c0_i32_0 : i32, i32
  }
  func.func @transform_3(%arg0: i32) -> (i32, i32) {
    %c0_i32 = arith.constant 0 : i32
    %c0_i32_0 = arith.constant 0 : i32
    %c0_i32_1 = arith.constant 0 : i32
    return %c0_i32, %c0_i32_0 : i32, i32
  }
  func.func @transform_4(%arg0: i32) -> (i32, i32) {
    %c0_i32 = arith.constant 0 : i32
    %c0_i32_0 = arith.constant 0 : i32
    %c0_i32_1 = arith.constant 0 : i32
    return %c0_i32, %c0_i32_0 : i32, i32
  }
  func.func @transform_5(%arg0: i32) -> (i32, i32) {
    %c0_i32 = arith.constant 0 : i32
    %c0_i32_0 = arith.constant 0 : i32
    return %arg0, %c0_i32 : i32, i32
  }
}

</mosaic_0001>

<sc_bundles>
// kernel: kernel.10.cloned.1.call-start
scs
__scs_entry_jumppad:
0x0: {  	(pc) =	sbr.rel $0x88, $3  }
0x1: {  	(tag) =	ssettag $0x0;
	lr =	simm.s32 $0x1  }
0x2: {  	[smem:$0x3F90] =	sst lr;
	_ =	strace $0xD0000000  }
0x3: {  	_ = 	snop  }
0x4: {  	_ = 	snop  }
0x5: {  	_ = 	snop  }
0x6: {  	_ = 	snop  }
0x7: {  	_ = 	snop  }
__scs_overlays_trampoline_lowered:
0x8: {  	[smem:$0x3F9F] =	sst s0  }
0x9: {  	[smem:$0x3FA0] =	sst s1  }
0xa: {  	[smem:$0x3FA1] =	sst s2  }
0xb: {  	[smem:$0x3FA2] =	sst s3  }
0xc: {  	[smem:$0x3FA3] =	sst s4  }
0xd: {  	[smem:$0x3FA4] =	sst s5  }
0xe: {  	[smem:$0x3FA5] =	sst s6  }
0xf: {  	[smem:$0x3FA6] =	sst s7  }
0x10: {  	[smem:$0x3FA7] =	sst s8  }
0x11: {  	[smem:$0x3FA8] =	sst s9;
	s0 =	simm.s32 @!p0 $0x0  }
0x12: {  	s1 =	sld [smem:$0x3F8E];
	s0 =	simm.s32 @p0 $0x1  }
0x13: {  	[smem:$0x3FA9] =	sst s0;
	s0 =	simm.s32 @!p1 $0x0  }
0x14: {  	s2 =	sld [smem:$0x3F8D];
	s0 =	simm.s32 @p1 $0x1  }
0x15: {  	[smem:$0x3FAA] =	sst s0;
	s0 =	simm.s32 @!p2 $0x0  }
0x16: {  	s3 =	sld [smem:$0x3FDB];
	s0 =	simm.s32 @p2 $0x1  }
0x17: {  	s4 =	simm.s32 $0x1BF5;
	[smem:$0x3FAC] =	sst s0  }
0x18: {  	s0 =	sld [smem:$0x3F8F];
	_ =	swait.ge [sflag:s4], $0x0  }
0x19: {  	s7 =	sld [smem:$0x3F90]  }
0x1a: {  	s8 =	sadd.s32 $0xFFFFE003, lr  }
0x1b: {  	s9 =	sadd.s32 $0xFFFFFEF7, lr;
	s5 =	simm.s32 $0xFFFFFFFF;
	p2 =	slt.u32 s8, $0xFFFFF086  }
0x1c: {  	p1 =	slt.u32 s9, $0xF7A;
	s5 =	simm.s32 @!p2 $0x0  }
0x1d: {  	s5 =	simm.s32 @p1 $0x1;
	p0 =	seq.s32 s7, s2  }
0x1e: {  	s7 =	smul.u32 @!p0 $0xF7A, s2;
	p2 =	seq.s32 @!p0 s5, $0x0  }
0x1f: {  	s9 =	smul.u32 $0xF7A, s1;
	s8 =	simm.s32 @!p0 $0x1BF5;
	p2 =	por !p2, p0  }
0x20: {  	[sflag:s8] =	ssyncset.s32 @!p0 $0xFFFFF086;
	s6 =	sadd.s32 @!p0 s3, s7;
	s7 =	simm.s32 @!p0 $0x108  }
0x21: {  	s3 =	sadd.s32 s3, s9;
	s6 =	sadd.s32 @!p0 $0x88, s6;
	s7 =	simm.s32 @p2 $0x1082  }
0x22: {  	[simem:s7], [sflag:s8] =	dma.local @!p0 [hbm:s6], $0xF7A  }
0x23: {  	s9 =	sor.u32 $0xD0000000, s2;
	s6 =	simm.s32 $0x108;
	_ =	swait.ge @!p0 [sflag:s8], $0x0  }
0x24: {  	s3 =	sadd.s32 $0x88, s3;
	s6 =	simm.s32 @!p1 $0x1082;
	[sflag:s4] =	ssyncset.s32 $0xFFFFF086  }
0x25: {  	[simem:s6], [sflag:s4] =	dma.local [hbm:s3], $0xF7A  }
0x26: {  	[smem:$0x3F90] =	sst s1;
	(tag) =	ssettag s2;
	_ =	strace s9  }
0x27: {  	s1 =	sld [smem:$0x3FA0]  }
0x28: {  	s2 =	sld [smem:$0x3FA1]  }
0x29: {  	s4 =	sld [smem:$0x3FA3]  }
0x2a: {  	p0 =	seq.s32 s5, $0x0;
	s5 =	sld [smem:$0x3FA4]  }
0x2b: {  	s6 =	sld [smem:$0x3FA5]  }
0x2c: {  	s7 =	sld [smem:$0x3FA6]  }
0x2d: {  	s3 =	simm.s32 $0x108;
	s8 =	sld [smem:$0x3FA7]  }
0x2e: {  	s3 =	simm.s32 @!p0 $0x1082;
	s9 =	sld [smem:$0x3FA8]  }
0x2f: {  	lr =	sadd.s32 s0, s3;
	s0 =	sld [smem:$0x3F9F]  }
0x30: {  	s3 =	sld [smem:$0x3FA2]  }
0x31: {  	[smem:$0x3FAB] =	sst s10  }
0x32: {  	s10 =	sld [smem:$0x3FA9];
	_ =	sdelay $0x3  }
0x33: {  	p0 =	seq.s32 s10, $0x1;
	s10 =	sld [smem:$0x3FAB];
	_ =	sdelay $0x3  }
0x34: {  	[smem:$0x3FAB] =	sst s10  }
0x35: {  	s10 =	sld [smem:$0x3FAA];
	_ =	sdelay $0x3  }
0x36: {  	p1 =	seq.s32 s10, $0x1;
	s10 =	sld [smem:$0x3FAB];
	_ =	sdelay $0x3  }
0x37: {  	[smem:$0x3FAB] =	sst s10  }
0x38: {  	s10 =	sld [smem:$0x3FAC]  }
0x39: {  	_ = 	snop;
	(pc) =	sbr.ind lr, $3  }
0x3a: {  	_ = 	snop  }
0x3b: {  	_ = 	snop  }
0x3c: {  	p2 =	seq.s32 s10, $0x1;
	s10 =	sld [smem:$0x3FAB]  }
0x3d: {  	_ =	shalt  }
0x3e: {  	_ =	shalt  }
0x3f: {  	_ =	shalt  }
0x40: {  	_ =	shalt  }
0x41: {  	_ =	shalt  }
0x42: {  	_ =	shalt  }
0x43: {  	_ =	shalt  }
0x44: {  	_ =	shalt  }
0x45: {  	_ =	shalt  }
0x46: {  	_ =	shalt  }
0x47: {  	_ =	shalt  }
0x48: {  	_ =	shalt  }
0x49: {  	_ =	shalt  }
0x4a: {  	_ =	shalt  }
0x4b: {  	_ =	shalt  }
0x4c: {  	_ =	shalt  }
0x4d: {  	_ =	shalt  }
0x4e: {  	_ =	shalt  }
0x4f: {  	_ =	shalt  }
0x50: {  	_ =	shalt  }
0x51: {  	_ =	shalt  }
0x52: {  	_ =	shalt  }
0x53: {  	_ =	shalt  }
0x54: {  	_ =	shalt  }
0x55: {  	_ =	shalt  }
0x56: {  	_ =	shalt  }
0x57: {  	_ =	shalt  }
0x58: {  	_ =	shalt  }
0x59: {  	_ =	shalt  }
0x5a: {  	_ =	shalt  }
0x5b: {  	_ =	shalt  }
0x5c: {  	_ =	shalt  }
0x5d: {  	_ =	shalt  }
0x5e: {  	_ =	shalt  }
0x5f: {  	_ =	shalt  }
0x60: {  	_ =	shalt  }
0x61: {  	_ =	shalt  }
0x62: {  	_ =	shalt  }
0x63: {  	_ =	shalt  }
0x64: {  	_ =	shalt  }
0x65: {  	_ =	shalt  }
0x66: {  	_ =	shalt  }
0x67: {  	_ =	shalt  }
0x68: {  	_ =	shalt  }
0x69: {  	_ =	shalt  }
0x6a: {  	_ =	shalt  }
0x6b: {  	_ =	shalt  }
0x6c: {  	_ =	shalt  }
0x6d: {  	_ =	shalt  }
0x6e: {  	_ =	shalt  }
0x6f: {  	_ =	shalt  }
0x70: {  	_ =	shalt  }
0x71: {  	_ =	shalt  }
0x72: {  	_ =	shalt  }
0x73: {  	_ =	shalt  }
0x74: {  	_ =	shalt  }
0x75: {  	_ =	shalt  }
0x76: {  	_ =	shalt  }
0x77: {  	_ =	shalt  }
0x78: {  	_ =	shalt  }
0x79: {  	_ =	shalt  }
0x7a: {  	_ =	shalt  }
0x7b: {  	_ =	shalt  }
0x7c: {  	_ =	shalt  }
0x7d: {  	_ =	shalt  }
0x7e: {  	_ =	shalt  }
0x7f: {  	_ =	shalt  }
0x80: {  	_ =	shalt  }
0x81: {  	_ =	shalt  }
0x82: {  	_ =	shalt  }
0x83: {  	_ =	shalt  }
0x84: {  	_ =	shalt  }
0x85: {  	_ =	shalt  }
0x86: {  	_ =	shalt  }
0x87: {  	_ =	shalt  }
.Lfunc_end0:
.L_simem_size_0:
called_computation_lowered:
.L_overlay_start_0:
0x88: {  	s2 =	sld [smem:$0x3FD9]  }
0x89: {  	s3 =	sld [smem:$0x3FFE];
	_ =	sdelay $0x1  }
0x8a: {  	s1 =	srdreg.scid  }
0x8b: {  	s0 =	sand.u32 $0x1, s1  }
0x8c: {  	s14 =	sshll.u32 s0, $0xA;
	s2 =	sadd.s32 s3, s2  }
0x8d: {  	s2 =	sadd.s32 s2, s14  }
0x8e: {  	[smem:$0x3FB7] =	sst s2  }
0x8f: {  	_ = 	snop  }
0x90: {  	s2 =	sld [smem:$0x3FD0];
	_ =	sdelay $0x2  }
0x91: {  	s15 =	simm.s32 $0xA;
	s4 =	simm.s32 $0x10  }
0x92: {  	[smem:s4], [sflag:s15] =	dma.local [hbm:s2], $0x1  }
0x93: {  	_ =	swait.eq [sflag:s15], $0x1  }
0x94: {  	[sflag:s15] =	ssyncset.done $0x0  }
0x95: {  	[sflag:s15] =	ssyncadd.s32 $0xFFFFFFFF  }
0x96: {  	s16 =	sld [smem:$0x11];
	(tm) =	ssettm $0x1  }
0x97: {  	s17 =	sld [smem:$0x3FFB];
	_ =	sdelay $0x3  }
0x98: {  	_ =	strace s17  }
0x99: {  	s3 =	sld [smem:$0x3FFC];
	_ =	sdelay $0x3  }
0x9a: {  	_ =	strace s3  }
0x9b: {  	s3 =	sld [smem:$0x3FFD];
	_ =	sdelay $0x3  }
0x9c: {  	_ =	strace s3  }
0x9d: {  	_ =	strace $0x8FFFFFFF  }
0x9e: {  	s18 =	sld [smem:$0x3FDB];
	_ =	sdelay $0x1  }
0x9f: {  	s19 =	simm.s32 $_scs_section_size  }
0xa0: {  	s5 =	simm.s32 $_size__tile_overlayer_lowered;
	s6 =	simm.s32 $_tile_overlayer_lowered  }
0xa1: {  	s22 =	simm.s32 $0x1BFF;
	s21 =	sshll.u32 s6, $0x1;
	s3 =	sadd.s32 s19, s18  }
0xa2: {  	s7 =	simm.s32 $0x0;
	s20 =	sshll.u32 s5, $0x1;
	s5 =	sadd.s32 s21, s3  }
0xa3: {  	[timem:s7], [sflag:s22] =	dma.local [hbm:s5], s20  }
0xa4: {  	_ =	swait.ge [sflag:s22], s20  }
0xa5: {  	s4 =	ssub.s32 $0x0, s20;
	[sflag:s22] =	ssyncset.done $0x0  }
0xa6: {  	[sflag:s22] =	ssyncadd.s32 s4;
	_ =	sdelay $0x1  }
0xa7: {  	s23 =	simm.s32 $0x1B8B  }
0xa8: {  	_ =	swait.ge [sflag:s23], $0x1  }
0xa9: {  	[sflag:s23] =	ssyncset.done $0x0  }
0xaa: {  	s25 =	simm.s32 $0x1B8E;
	s24 =	sld [smem:$0x3FFE];
	[sflag:s23] =	ssyncadd.s32 $0xFFFFFFFF  }
0xab: {  	s26 =	simm.s32 $execute0_lowered;
	[smem:$0x3FD2] =	sst s25  }
0xac: {  	s5 =	sshll.u32 s26, $0x1;
	_ =	strace $0x80000046;
	[dreg:$0x1] =	wrdreg $0xFFFFFFFF  }
0xad: {  	s28 =	simm.s32 $_size_execute0_lowered;
	s3 =	sadd.s32 s3, s5;
	[dreg:$0x0] =	wrdreg $0x0  }
0xae: {  	s5 =	sshll.u32 s28, $0x1;
	[dreg:$0x2] =	wrdreg s3  }
0xaf: {  	[dreg:$0x3] =	wrdreg s5  }
0xb0: {  	[dreg:$0x4] =	wrdreg $0xC0  }
0xb1: {  	_ =	task [dreg:s7], $0x5FFFF  }
0xb2: {  	[dreg:$0x1] =	wrdreg $0xFFFFFFFF  }
0xb3: {  	[dreg:$0x0] =	wrdreg $0x60  }
0xb4: {  	[dreg:$0x2] =	wrdreg s16  }
0xb5: {  	[dreg:$0x3] =	wrdreg s24  }
0xb6: {  	[dreg:$0x4] =	wrdreg $0xA8000  }
0xb7: {  	[dreg:$0x5] =	wrdreg $0x9  }
0xb8: {  	_ =	task.clear_ibuf [dreg:s7], $0x6FFFF;
	_ =	strace $0x90000046  }
0xb9: {  	s29 =	simm.s32 $0x9;
	_ =	strace $0x80000048  }
0xba: {  	_ =	swait.ge [sflag:s29], $0x1  }
0xbb: {  	[sflag:s29] =	ssyncadd.s32 $0xFFFFFFFF  }
0xbc: {  	_ =	strace $0x90000048  }
0xbd: {  	_ =	sfence  }
0xbe: {  	s30 =	sld [smem:$0x0];
	_ =	sdelay $0x2  }
0xbf: {  	s31 =	sshll.u32 s1, $0xD;
	s1 =	sshrl.u32 s1, $0x2  }
0xc0: {  	s3 =	sand.u32 $0x4000, s31;
	s1 =	sadd.s32 s1, s30  }
0xc1: {  	s0 =	sor.u32 s3, s0;
	s1 =	sshll.u32 s1, $0x11  }
0xc2: {  	s0 =	sor.u32 s1, s0  }
0xc3: {  	s0 =	sadd.s32 $0x8F2B, s0  }
0xc4: {  	[sflag:s0] =	ssyncadd.remote.s32 $0x1  }
0xc5: {  	_ =	sfence.sel $0xFFFF  }
0xc6: {  	[dreg:$0x0] =	wrdreg $0xFFFFFFFF;
	(pc) =	sbr.abs _section_cstart, $3  }
0xc7: {  	[dreg:$0x1] =	wrdreg $0xFFFFFFFF  }
0xc8: {  	_ =	task.clear_ibuf [dreg:s7], $0x2FFFF;
	_ =	strace $0x9FFFFFFF  }
0xc9: {  	(tm) =	ssettm $0x7FFFFFFF  }
tec
execute0_lowered:
.L_overlay_start_1:
0x0: {  	(tag) =	ssettag $0x1  }
0x1: {  	s1 =	rddreg [dreg:$0x0]  }
0x2: {  	s0 =	rddreg [dreg:$0x1]  }
0x3: {  	s2 =	rddreg [dreg:$0x2]  }
0x4: {  	s3 =	srdreg.scid;
	s4 =	simm.s32 $0x0;
	s24 =	stileid.u32  }
0x5: {  	s19 =	simm.s32 $0x2800;
	s20 =	simm.s32 $0x3;
	s21 =	simm.s32 $0x1400  }
0x6: {  	s22 =	simm.s32 $0x80;
	s23 =	simm.s32 $0x6800;
	s28 =	simm.s32 $0x2780  }
0x7: {  	s29 =	simm.s32 $0x0;
	s5 =	sand.u32 $0x1, s3;
	s7 =	smul.u32 $0x2800, s24  }
0x8: {  	[smem:$0x7FF] =	sst s4;
	s17 =	sadd.s32 $0xDA00, s0;
	s8 =	smul.u32 $0x50000, s24  }
0x9: {  	s18 =	sadd.s32 $0x3A00, s0;
	s6 =	smul.u32 $0x28000, s5;
	s25 =	ssub.s32 $0x2, s5  }
0xa: {  	_ =	strace $0x80000047;
	s5 =	sshll.u32 s5, $0x4;
	s26 =	sshrl.u32 s25, $0x1  }
0xb: {  	s30 =	sshrl.u32 s8, $0x2;
	s12 =	sor.u32 s24, s5;
	s24 =	simm.s32 $0x1  }
0xc: {  	s6 =	sadd.s32 s7, s6;
	s7 =	ssub.s32 s25, s26;
	s5 =	sadd.s32 s30, s2  }
0xd: {  	s31 =	smul.u32 $0x500, s12;
	s25 =	simm.s32 $0x2;
	s26 =	simm.s32 $0x2700  }
0xe: {  	s0 =	sadd.s32 s6, s0;
	s7 =	smax.u32 s7, $0x1;
	s8 =	sadd.s32 $0x2800, s5  }
0xf: {  	s9 =	sadd.s32 $0x5000, s5;
	s10 =	sadd.s32 $0x7800, s5;
	s11 =	sadd.s32 $0xA000, s5  }
0x10: {  	s12 =	sadd.s32 $0xC800, s5;
	s13 =	sadd.s32 $0xF000, s5;
	s14 =	sadd.s32 $0x11800, s5  }
0x11: {  	s6 =	sadd.s32 $0x17A00, s0;
	s15 =	sadd.s32 s17, s31;
	s0 =	sadd.s32 $0x280, s31  }
0x12: {  	v0 =	vimm.f32 $0.0e+00;
	s16 =	sadd.s32 s18, s31;
	s17 =	sadd.s32 s17, s0;
	s18 =	sadd.s32 s18, s0  }
.LBB2_1:
0x13: {  	s0 =	sand.u32 $0xFE00, s4  }
0x14: {  	s31 =	sand.u32 $0x70, s4;
	s0 =	sshrl.u32 s0, $0x2  }
0x15: {  	s30 =	simm.s32 $0x40;
	s0 =	sor.u32 s31, s0;
	s31 =	simm.s32 $0x0  }
.LBB2_2:
0x16: {  	p0 =	sne.s32 s30, $0x9FC0  }
0x17: {  	[tilespmem:s0+$0x2800] =	vst v0;
	s31 =	sadd.s32 $0x10, s31;
	s0 =	smov.u32 s30;
	s30 =	sadd.s32 $0x40, s30  }
.Ltmp0:
0x18: {  	(pc) =	sbr.rel @p0 .LBB2_2-.Ltmp0, $4  }
0x19: {  	_ = 	snop  }
0x1a: {  	s0 =	sand.u32 $0xFE00, s0  }
0x1b: {  	s3 =	sand.u32 $0x70, s31;
	s0 =	sshrl.u32 s0, $0x2  }
0x1c: {  	s0 =	sor.u32 s3, s0  }
0x1d: {  	[tilespmem:s0+$0x2800] =	vst v0  }
0x1e: {  	[spmem:s5] =	stream.linear.scatter [tilespmem:s19], [sflag:$0x3], $0x2800, $0x38;
	[tilespmem:$0x1E800] =	vst v63  }
0x1f: {  	_ =	swait.ge [sflag:s20], $0x2800  }
0x20: {  	[sflag:s20] =	ssyncset.done $0x0  }
0x21: {  	[sflag:s20] =	ssyncadd.s32 $0xFFFFD800  }
0x22: {  	[spmem:s8] =	stream.linear.scatter [tilespmem:s19], [sflag:$0x3], $0x2800, $0x38;
	[tilespmem:$0x1E800] =	vst v63  }
0x23: {  	_ =	swait.ge [sflag:s20], $0x2800  }
0x24: {  	[sflag:s20] =	ssyncset.done $0x0  }
0x25: {  	[sflag:s20] =	ssyncadd.s32 $0xFFFFD800  }
0x26: {  	[spmem:s9] =	stream.linear.scatter [tilespmem:s19], [sflag:$0x3], $0x2800, $0x38;
	[tilespmem:$0x1E800] =	vst v63  }
0x27: {  	_ =	swait.ge [sflag:s20], $0x2800  }
0x28: {  	[sflag:s20] =	ssyncset.done $0x0  }
0x29: {  	[sflag:s20] =	ssyncadd.s32 $0xFFFFD800  }
0x2a: {  	[spmem:s10] =	stream.linear.scatter [tilespmem:s19], [sflag:$0x3], $0x2800, $0x38;
	[tilespmem:$0x1E800] =	vst v63  }
0x2b: {  	_ =	swait.ge [sflag:s20], $0x2800  }
0x2c: {  	[sflag:s20] =	ssyncset.done $0x0  }
0x2d: {  	[sflag:s20] =	ssyncadd.s32 $0xFFFFD800  }
0x2e: {  	[spmem:s11] =	stream.linear.scatter [tilespmem:s19], [sflag:$0x3], $0x2800, $0x38;
	[tilespmem:$0x1E800] =	vst v63  }
0x2f: {  	_ =	swait.ge [sflag:s20], $0x2800  }
0x30: {  	[sflag:s20] =	ssyncset.done $0x0  }
0x31: {  	[sflag:s20] =	ssyncadd.s32 $0xFFFFD800  }
0x32: {  	[spmem:s12] =	stream.linear.scatter [tilespmem:s19], [sflag:$0x3], $0x2800, $0x38;
	[tilespmem:$0x1E800] =	vst v63  }
0x33: {  	_ =	swait.ge [sflag:s20], $0x2800  }
0x34: {  	[sflag:s20] =	ssyncset.done $0x0  }
0x35: {  	[sflag:s20] =	ssyncadd.s32 $0xFFFFD800  }
0x36: {  	[spmem:s13] =	stream.linear.scatter [tilespmem:s19], [sflag:$0x3], $0x2800, $0x38;
	[tilespmem:$0x1E800] =	vst v63  }
0x37: {  	_ =	swait.ge [sflag:s20], $0x2800  }
0x38: {  	[sflag:s20] =	ssyncset.done $0x0  }
0x39: {  	[sflag:s20] =	ssyncadd.s32 $0xFFFFD800  }
0x3a: {  	[spmem:s14] =	stream.linear.scatter [tilespmem:s19], [sflag:$0x3], $0x2800, $0x38;
	[tilespmem:$0x1E800] =	vst v63  }
0x3b: {  	_ =	swait.ge [sflag:s20], $0x2800  }
0x3c: {  	[sflag:s20] =	ssyncset.done $0x0  }
0x3d: {  	[sflag:s20] =	ssyncadd.s32 $0xFFFFD800  }
0x3e: {  	s3 =	simm.s32 $0x0;
	[bflag:$0x0] =	sbarrier.arrive $0xFFFF  }
0x3f: {  	[tilespmem:s3], [sflag:$0x3] =	stream.linear.gather [hbm4b:s15+s3], $0x1400, $0x38;
	[tilespmem:$0x1E800] =	vst v63  }
0x40: {  	_ =	swait.ge [sflag:s20], $0x1400  }
0x41: {  	[sflag:s20] =	ssyncset.done $0x0  }
0x42: {  	[sflag:s20] =	ssyncadd.s32 $0xFFFFEC00  }
0x43: {  	[tilespmem:s21], [sflag:$0x3] =	stream.linear.gather [hbm4b:s16+s3], $0x1400, $0x38;
	[tilespmem:$0x1E800] =	vst v63  }
0x44: {  	_ =	swait.ge [sflag:s20], $0x1400  }
0x45: {  	[sflag:s20] =	ssyncset.done $0x0  }
0x46: {  	[sflag:s20] =	ssyncadd.s32 $0xFFFFEC00  }
0x47: {  	[tilespmem:s19], [sflag:$0x1] =	stream.indirect.gather [hbm4b:s1+s22], $0x80, s3, s22, $0xb8;
	[tilespmem:$0x1E800] =	vst v63  }
0x48: {  	_ = 	snop  }
0x49: {  	[tilespmem:s23], [sflag:$0x2] =	stream.indirect.gather [hbm4b:s1+s22], $0x80, s22, s22, $0xb8;
	[tilespmem:$0x1E800] =	vst v63  }
0x4a: {  	_ =	swait.ge [sflag:s24], $0x4000  }
0x4b: {  	[sflag:s24] =	ssyncset.done $0x0  }
0x4c: {  	s31 =	simm.s32 $0x1400;
	[sflag:s24] =	ssyncadd.s32 $0xFFFFC000  }
0x4d: {  	[spmem:s2] =	stream.indirect.scatter.add.f32 [tilespmem:s19], [sflag:$0x3], $0x80, s31, s22, $0xb8;
	[tilespmem:$0x1E800] =	vst v63  }
0x4e: {  	_ =	swait.ge [sflag:s20], $0x4000  }
0x4f: {  	[sflag:s20] =	ssyncset.done $0x0  }
0x50: {  	s3 =	simm.s32 $0x100;
	[sflag:s20] =	ssyncadd.s32 $0xFFFFC000  }
0x51: {  	[tilespmem:s19], [sflag:$0x1] =	stream.indirect.gather [hbm4b:s1+s22], $0x80, s3, s22, $0xb8;
	[tilespmem:$0x1E800] =	vst v63  }
0x52: {  	_ =	swait.ge [sflag:s25], $0x4000  }
0x53: {  	[sflag:s25] =	ssyncset.done $0x0  }
0x54: {  	s31 =	simm.s32 $0x1480;
	[sflag:s25] =	ssyncadd.s32 $0xFFFFC000  }
0x55: {  	[spmem:s2] =	stream.indirect.scatter.add.f32 [tilespmem:s23], [sflag:$0x3], $0x80, s31, s22, $0xb8;
	[tilespmem:$0x1E800] =	vst v63  }
0x56: {  	_ =	swait.ge [sflag:s20], $0x4000  }
0x57: {  	[sflag:s20] =	ssyncset.done $0x0  }
0x58: {  	s30 =	simm.s32 $0x400;
	s0 =	simm.s32 $0x180;
	[sflag:s20] =	ssyncadd.s32 $0xFFFFC000  }
.LBB2_4:
0x59: {  	[tilespmem:s23], [sflag:$0x2] =	stream.indirect.gather [hbm4b:s1+s22], $0x80, s0, s22, $0xb8;
	[tilespmem:$0x1E800] =	vst v63  }
0x5a: {  	s0 =	smov.u32 s30  }
0x5b: {  	p0 =	sne.s32 s30, $0x4800;
	s30 =	sadd.s32 $0x400, s30;
	_ =	swait.ge [sflag:s24], $0x4000  }
0x5c: {  	s0 =	sshra.s32 s0, $0x2;
	[sflag:s24] =	ssyncset.done $0x0  }
0x5d: {  	s3 =	sadd.s32 $0x1400, s0;
	[sflag:s24] =	ssyncadd.s32 $0xFFFFC000  }
0x5e: {  	[spmem:s2] =	stream.indirect.scatter.add.f32 [tilespmem:s19], [sflag:$0x3], $0x80, s3, s22, $0xb8;
	[tilespmem:$0x1E800] =	vst v63  }
0x5f: {  	_ =	swait.ge [sflag:s20], $0x4000  }
0x60: {  	[sflag:s20] =	ssyncset.done $0x0  }
0x61: {  	s3 =	sadd.s32 $0x100, s0;
	[sflag:s20] =	ssyncadd.s32 $0xFFFFC000  }
0x62: {  	[tilespmem:s19], [sflag:$0x1] =	stream.indirect.gather [hbm4b:s1+s22], $0x80, s3, s22, $0xb8;
	[tilespmem:$0x1E800] =	vst v63  }
0x63: {  	_ =	swait.ge [sflag:s25], $0x4000  }
0x64: {  	[sflag:s25] =	ssyncset.done $0x0  }
.Ltmp1:
0x65: {  	s3 =	sadd.s32 $0x1480, s0;
	[sflag:s25] =	ssyncadd.s32 $0xFFFFC000;
	(pc) =	sbr.rel @p0 .LBB2_4-.Ltmp1, $4  }
0x66: {  	[spmem:s2] =	stream.indirect.scatter.add.f32 [tilespmem:s23], [sflag:$0x3], $0x80, s3, s22, $0xb8;
	[tilespmem:$0x1E800] =	vst v63  }
0x67: {  	_ =	swait.ge [sflag:s20], $0x4000  }
0x68: {  	[sflag:s20] =	ssyncset.done $0x0  }
0x69: {  	s0 =	sadd.s32 $0x180, s0;
	[sflag:s20] =	ssyncadd.s32 $0xFFFFC000  }
0x6a: {  	[tilespmem:s23], [sflag:$0x2] =	stream.indirect.gather [hbm4b:s1+s22], $0x80, s0, s22, $0xb8;
	[tilespmem:$0x1E800] =	vst v63  }
0x6b: {  	_ =	swait.ge [sflag:s24], $0x4000  }
0x6c: {  	[sflag:s24] =	ssyncset.done $0x0  }
0x6d: {  	[sflag:s24] =	ssyncadd.s32 $0xFFFFC000  }
0x6e: {  	[spmem:s2] =	stream.indirect.scatter.add.f32 [tilespmem:s19], [sflag:$0x3], $0x80, s26, s22, $0xb8;
	[tilespmem:$0x1E800] =	vst v63  }
0x6f: {  	_ =	swait.ge [sflag:s20], $0x4000  }
0x70: {  	[sflag:s20] =	ssyncset.done $0x0  }
0x71: {  	[sflag:s20] =	ssyncadd.s32 $0xFFFFC000  }
0x72: {  	_ =	swait.ge [sflag:s25], $0x4000  }
0x73: {  	[sflag:s25] =	ssyncset.done $0x0  }
0x74: {  	[sflag:s25] =	ssyncadd.s32 $0xFFFFC000  }
0x75: {  	[spmem:s2] =	stream.indirect.scatter.add.f32 [tilespmem:s23], [sflag:$0x3], $0x80, s28, s22, $0xb8;
	[tilespmem:$0x1E800] =	vst v63  }
0x76: {  	_ =	swait.ge [sflag:s20], $0x4000  }
0x77: {  	[sflag:s20] =	ssyncset.done $0x0  }
0x78: {  	s3 =	simm.s32 $0x0;
	[sflag:s20] =	ssyncadd.s32 $0xFFFFC000  }
0x79: {  	[tilespmem:s3], [sflag:$0x3] =	stream.linear.gather [hbm4b:s17+s3], $0x1400, $0x38;
	[tilespmem:$0x1E800] =	vst v63  }
0x7a: {  	_ =	swait.ge [sflag:s20], $0x1400  }
0x7b: {  	[sflag:s20] =	ssyncset.done $0x0  }
0x7c: {  	[sflag:s20] =	ssyncadd.s32 $0xFFFFEC00  }
0x7d: {  	[tilespmem:s21], [sflag:$0x3] =	stream.linear.gather [hbm4b:s18+s3], $0x1400, $0x38;
	[tilespmem:$0x1E800] =	vst v63  }
0x7e: {  	_ =	swait.ge [sflag:s20], $0x1400  }
0x7f: {  	[sflag:s20] =	ssyncset.done $0x0  }
0x80: {  	[sflag:s20] =	ssyncadd.s32 $0xFFFFEC00  }
0x81: {  	[tilespmem:s19], [sflag:$0x1] =	stream.indirect.gather [hbm4b:s1+s22], $0x80, s3, s22, $0xb8;
	[tilespmem:$0x1E800] =	vst v63  }
0x82: {  	_ = 	snop  }
0x83: {  	[tilespmem:s23], [sflag:$0x2] =	stream.indirect.gather [hbm4b:s1+s22], $0x80, s22, s22, $0xb8;
	[tilespmem:$0x1E800] =	vst v63  }
0x84: {  	_ =	swait.ge [sflag:s24], $0x4000  }
0x85: {  	[sflag:s24] =	ssyncset.done $0x0  }
0x86: {  	s31 =	simm.s32 $0x1400;
	[sflag:s24] =	ssyncadd.s32 $0xFFFFC000  }
0x87: {  	[spmem:s2] =	stream.indirect.scatter.add.f32 [tilespmem:s19], [sflag:$0x3], $0x80, s31, s22, $0xb8;
	[tilespmem:$0x1E800] =	vst v63  }
0x88: {  	_ =	swait.ge [sflag:s20], $0x4000  }
0x89: {  	[sflag:s20] =	ssyncset.done $0x0  }
0x8a: {  	s3 =	simm.s32 $0x100;
	[sflag:s20] =	ssyncadd.s32 $0xFFFFC000  }
0x8b: {  	[tilespmem:s19], [sflag:$0x1] =	stream.indirect.gather [hbm4b:s1+s22], $0x80, s3, s22, $0xb8;
	[tilespmem:$0x1E800] =	vst v63  }
0x8c: {  	_ =	swait.ge [sflag:s25], $0x4000  }
0x8d: {  	[sflag:s25] =	ssyncset.done $0x0  }
0x8e: {  	s31 =	simm.s32 $0x1480;
	[sflag:s25] =	ssyncadd.s32 $0xFFFFC000  }
0x8f: {  	[spmem:s2] =	stream.indirect.scatter.add.f32 [tilespmem:s23], [sflag:$0x3], $0x80, s31, s22, $0xb8;
	[tilespmem:$0x1E800] =	vst v63  }
0x90: {  	_ =	swait.ge [sflag:s20], $0x4000  }
0x91: {  	[sflag:s20] =	ssyncset.done $0x0  }
0x92: {  	s30 =	simm.s32 $0x400;
	s0 =	simm.s32 $0x180;
	[sflag:s20] =	ssyncadd.s32 $0xFFFFC000  }
.LBB2_6:
0x93: {  	[tilespmem:s23], [sflag:$0x2] =	stream.indirect.gather [hbm4b:s1+s22], $0x80, s0, s22, $0xb8;
	[tilespmem:$0x1E800] =	vst v63  }
0x94: {  	s0 =	smov.u32 s30  }
0x95: {  	p0 =	sne.s32 s30, $0x4800;
	s30 =	sadd.s32 $0x400, s30;
	_ =	swait.ge [sflag:s24], $0x4000  }
0x96: {  	s0 =	sshra.s32 s0, $0x2;
	[sflag:s24] =	ssyncset.done $0x0  }
0x97: {  	s3 =	sadd.s32 $0x1400, s0;
	[sflag:s24] =	ssyncadd.s32 $0xFFFFC000  }
0x98: {  	[spmem:s2] =	stream.indirect.scatter.add.f32 [tilespmem:s19], [sflag:$0x3], $0x80, s3, s22, $0xb8;
	[tilespmem:$0x1E800] =	vst v63  }
0x99: {  	_ =	swait.ge [sflag:s20], $0x4000  }
0x9a: {  	[sflag:s20] =	ssyncset.done $0x0  }
0x9b: {  	s3 =	sadd.s32 $0x100, s0;
	[sflag:s20] =	ssyncadd.s32 $0xFFFFC000  }
0x9c: {  	[tilespmem:s19], [sflag:$0x1] =	stream.indirect.gather [hbm4b:s1+s22], $0x80, s3, s22, $0xb8;
	[tilespmem:$0x1E800] =	vst v63  }
0x9d: {  	_ =	swait.ge [sflag:s25], $0x4000  }
0x9e: {  	[sflag:s25] =	ssyncset.done $0x0  }
.Ltmp2:
0x9f: {  	s3 =	sadd.s32 $0x1480, s0;
	[sflag:s25] =	ssyncadd.s32 $0xFFFFC000;
	(pc) =	sbr.rel @p0 .LBB2_6-.Ltmp2, $4  }
0xa0: {  	[spmem:s2] =	stream.indirect.scatter.add.f32 [tilespmem:s23], [sflag:$0x3], $0x80, s3, s22, $0xb8;
	[tilespmem:$0x1E800] =	vst v63  }
0xa1: {  	_ =	swait.ge [sflag:s20], $0x4000  }
0xa2: {  	[sflag:s20] =	ssyncset.done $0x0  }
0xa3: {  	s0 =	sadd.s32 $0x180, s0;
	[sflag:s20] =	ssyncadd.s32 $0xFFFFC000  }
0xa4: {  	[tilespmem:s23], [sflag:$0x2] =	stream.indirect.gather [hbm4b:s1+s22], $0x80, s0, s22, $0xb8;
	[tilespmem:$0x1E800] =	vst v63  }
0xa5: {  	_ =	swait.ge [sflag:s24], $0x4000  }
0xa6: {  	[sflag:s24] =	ssyncset.done $0x0  }
0xa7: {  	[sflag:s24] =	ssyncadd.s32 $0xFFFFC000  }
0xa8: {  	[spmem:s2] =	stream.indirect.scatter.add.f32 [tilespmem:s19], [sflag:$0x3], $0x80, s26, s22, $0xb8;
	[tilespmem:$0x1E800] =	vst v63  }
0xa9: {  	_ =	swait.ge [sflag:s20], $0x4000  }
0xaa: {  	[sflag:s20] =	ssyncset.done $0x0  }
0xab: {  	[sflag:s20] =	ssyncadd.s32 $0xFFFFC000  }
0xac: {  	_ =	swait.ge [sflag:s25], $0x4000  }
0xad: {  	[sflag:s25] =	ssyncset.done $0x0  }
0xae: {  	[sflag:s25] =	ssyncadd.s32 $0xFFFFC000  }
0xaf: {  	[spmem:s2] =	stream.indirect.scatter.add.f32 [tilespmem:s23], [sflag:$0x3], $0x80, s28, s22, $0xb8;
	[tilespmem:$0x1E800] =	vst v63  }
0xb0: {  	s31 =	stileid.u32;
	_ =	swait.ge [sflag:s20], $0x4000  }
0xb1: {  	s3 =	sshrl.u32 s5, $0x3;
	s29 =	sadd.s32 $0x1, s29;
	[sflag:s20] =	ssyncset.done $0x0  }
0xb2: {  	s0 =	sshll.u32 s31, $0x6;
	p0 =	sne.s32 s29, s7;
	[sflag:s20] =	ssyncadd.s32 $0xFFFFC000  }
.Ltmp3:
0xb3: {  	s0 =	sor.u32 $0x1C03, s0;
	[bflag:$0x0] =	sbarrier.arrive $0xFFFF;
	(pc) =	sbr.rel @p0 .LBB2_1-.Ltmp3, $4  }
0xb4: {  	[hbm:s6], [sflag:s0] =	dma.local [spmem:s3], $0x2800  }
0xb5: {  	_ =	swait.ge [sflag:s20], $0x2800  }
0xb6: {  	[sflag:s20] =	ssyncset.done $0x0  }
0xb7: {  	[sflag:s20] =	ssyncadd.s32 $0xFFFFD800  }
0xb8: {  	_ =	sfence.sel $0x180000  }
0xb9: {  	[bflag:$0x0] =	sbarrier.arrive $0xFFFF  }
0xba: {  	_ =	strace $0x90000047  }
0xbb: {  	s0 =	stileid.u32;
	[bflag:$0x2] =	sbarrier.arrive $0xFFFF  }
0xbc: {  	p0 =	sne.s32 s0, $0x0;
	s0 =	rddreg [dreg:$0x3]  }
0xbd: {  	s0 =	sadd.s32 @!p0 $0x100000, s0  }
0xbe: {  	[sflag:s0] =	ssyncadd.tile.s32 @!p0 $0x1;
	_ =	shalt  }
.Lfunc_end2:
_tile_overlayer_lowered:
.L_overlay_start_2:
0xbf: {  	(tag) =	ssettag $0x2  }
0xc0: {  	s0 =	rddreg [dreg:$0x0];
	s2 =	stileid.u32  }
0xc1: {  	s1 =	rddreg [dreg:$0x1];
	p0 =	sne.s32 s2, $0x0  }
0xc2: {  	s3 =	rddreg [dreg:$0x2];
	[bflag:$0x3] =	sbarrier.arrive $0xFFFF;
	s2 =	simm.s32 @!p0 $0x1C03  }
0xc3: {  	[timem:s3], [sflag:s2] =	dma.local @!p0 [hbm:s0], s1  }
0xc4: {  	s0 =	simm.s32 @!p0 $0x3  }
0xc5: {  	_ =	swait.ge @!p0 [sflag:s0], s1  }
0xc6: {  	s1 =	ssub.s32 @!p0 $0x0, s1;
	[sflag:s0] =	ssyncset.done @!p0 $0x0  }
0xc7: {  	[sflag:s0] =	ssyncadd.s32 @!p0 s1  }
0xc8: {  	[bflag:$0x3] =	sbarrier.arrive $0xFFFF  }
0xc9: {  	_ =	shalt  }

// kernel: kernel.13.cloned.1.call-start
scs
__scs_entry_jumppad:
0x0: {  	(pc) =	sbr.rel $0x88, $3  }
0x1: {  	(tag) =	ssettag $0x0;
	lr =	simm.s32 $0x1  }
0x2: {  	[smem:$0x3F90] =	sst lr;
	_ =	strace $0xD0000000  }
0x3: {  	_ = 	snop  }
0x4: {  	_ = 	snop  }
0x5: {  	_ = 	snop  }
0x6: {  	_ = 	snop  }
0x7: {  	_ = 	snop  }
__scs_overlays_trampoline_lowered:
0x8: {  	[smem:$0x3F9F] =	sst s0  }
0x9: {  	[smem:$0x3FA0] =	sst s1  }
0xa: {  	[smem:$0x3FA1] =	sst s2  }
0xb: {  	[smem:$0x3FA2] =	sst s3  }
0xc: {  	[smem:$0x3FA3] =	sst s4  }
0xd: {  	[smem:$0x3FA4] =	sst s5  }
0xe: {  	[smem:$0x3FA5] =	sst s6  }
0xf: {  	[smem:$0x3FA6] =	sst s7  }
0x10: {  	[smem:$0x3FA7] =	sst s8  }
0x11: {  	[smem:$0x3FA8] =	sst s9;
	s0 =	simm.s32 @!p0 $0x0  }
0x12: {  	s1 =	sld [smem:$0x3F8E];
	s0 =	simm.s32 @p0 $0x1  }
0x13: {  	[smem:$0x3FA9] =	sst s0;
	s0 =	simm.s32 @!p1 $0x0  }
0x14: {  	s2 =	sld [smem:$0x3F8D];
	s0 =	simm.s32 @p1 $0x1  }
0x15: {  	[smem:$0x3FAA] =	sst s0;
	s0 =	simm.s32 @!p2 $0x0  }
0x16: {  	s3 =	sld [smem:$0x3FDB];
	s0 =	simm.s32 @p2 $0x1  }
0x17: {  	s4 =	simm.s32 $0x1BF5;
	[smem:$0x3FAC] =	sst s0  }
0x18: {  	s0 =	sld [smem:$0x3F8F];
	_ =	swait.ge [sflag:s4], $0x0  }
0x19: {  	s7 =	sld [smem:$0x3F90]  }
0x1a: {  	s8 =	sadd.s32 $0xFFFFE003, lr  }
0x1b: {  	s9 =	sadd.s32 $0xFFFFFEF7, lr;
	s5 =	simm.s32 $0xFFFFFFFF;
	p2 =	slt.u32 s8, $0xFFFFF086  }
0x1c: {  	p1 =	slt.u32 s9, $0xF7A;
	s5 =	simm.s32 @!p2 $0x0  }
0x1d: {  	s5 =	simm.s32 @p1 $0x1;
	p0 =	seq.s32 s7, s2  }
0x1e: {  	s7 =	smul.u32 @!p0 $0xF7A, s2;
	p2 =	seq.s32 @!p0 s5, $0x0  }
0x1f: {  	s9 =	smul.u32 $0xF7A, s1;
	s8 =	simm.s32 @!p0 $0x1BF5;
	p2 =	por !p2, p0  }
0x20: {  	[sflag:s8] =	ssyncset.s32 @!p0 $0xFFFFF086;
	s6 =	sadd.s32 @!p0 s3, s7;
	s7 =	simm.s32 @!p0 $0x108  }
0x21: {  	s3 =	sadd.s32 s3, s9;
	s6 =	sadd.s32 @!p0 $0x88, s6;
	s7 =	simm.s32 @p2 $0x1082  }
0x22: {  	[simem:s7], [sflag:s8] =	dma.local @!p0 [hbm:s6], $0xF7A  }
0x23: {  	s9 =	sor.u32 $0xD0000000, s2;
	s6 =	simm.s32 $0x108;
	_ =	swait.ge @!p0 [sflag:s8], $0x0  }
0x24: {  	s3 =	sadd.s32 $0x88, s3;
	s6 =	simm.s32 @!p1 $0x1082;
	[sflag:s4] =	ssyncset.s32 $0xFFFFF086  }
0x25: {  	[simem:s6], [sflag:s4] =	dma.local [hbm:s3], $0xF7A  }
0x26: {  	[smem:$0x3F90] =	sst s1;
	(tag) =	ssettag s2;
	_ =	strace s9  }
0x27: {  	s1 =	sld [smem:$0x3FA0]  }
0x28: {  	s2 =	sld [smem:$0x3FA1]  }
0x29: {  	s4 =	sld [smem:$0x3FA3]  }
0x2a: {  	p0 =	seq.s32 s5, $0x0;
	s5 =	sld [smem:$0x3FA4]  }
0x2b: {  	s6 =	sld [smem:$0x3FA5]  }
0x2c: {  	s7 =	sld [smem:$0x3FA6]  }
0x2d: {  	s3 =	simm.s32 $0x108;
	s8 =	sld [smem:$0x3FA7]  }
0x2e: {  	s3 =	simm.s32 @!p0 $0x1082;
	s9 =	sld [smem:$0x3FA8]  }
0x2f: {  	lr =	sadd.s32 s0, s3;
	s0 =	sld [smem:$0x3F9F]  }
0x30: {  	s3 =	sld [smem:$0x3FA2]  }
0x31: {  	[smem:$0x3FAB] =	sst s10  }
0x32: {  	s10 =	sld [smem:$0x3FA9];
	_ =	sdelay $0x3  }
0x33: {  	p0 =	seq.s32 s10, $0x1;
	s10 =	sld [smem:$0x3FAB];
	_ =	sdelay $0x3  }
0x34: {  	[smem:$0x3FAB] =	sst s10  }
0x35: {  	s10 =	sld [smem:$0x3FAA];
	_ =	sdelay $0x3  }
0x36: {  	p1 =	seq.s32 s10, $0x1;
	s10 =	sld [smem:$0x3FAB];
	_ =	sdelay $0x3  }
0x37: {  	[smem:$0x3FAB] =	sst s10  }
0x38: {  	s10 =	sld [smem:$0x3FAC]  }
0x39: {  	_ = 	snop;
	(pc) =	sbr.ind lr, $3  }
0x3a: {  	_ = 	snop  }
0x3b: {  	_ = 	snop  }
0x3c: {  	p2 =	seq.s32 s10, $0x1;
	s10 =	sld [smem:$0x3FAB]  }
0x3d: {  	_ =	shalt  }
0x3e: {  	_ =	shalt  }
0x3f: {  	_ =	shalt  }
0x40: {  	_ =	shalt  }
0x41: {  	_ =	shalt  }
0x42: {  	_ =	shalt  }
0x43: {  	_ =	shalt  }
0x44: {  	_ =	shalt  }
0x45: {  	_ =	shalt  }
0x46: {  	_ =	shalt  }
0x47: {  	_ =	shalt  }
0x48: {  	_ =	shalt  }
0x49: {  	_ =	shalt  }
0x4a: {  	_ =	shalt  }
0x4b: {  	_ =	shalt  }
0x4c: {  	_ =	shalt  }
0x4d: {  	_ =	shalt  }
0x4e: {  	_ =	shalt  }
0x4f: {  	_ =	shalt  }
0x50: {  	_ =	shalt  }
0x51: {  	_ =	shalt  }
0x52: {  	_ =	shalt  }
0x53: {  	_ =	shalt  }
0x54: {  	_ =	shalt  }
0x55: {  	_ =	shalt  }
0x56: {  	_ =	shalt  }
0x57: {  	_ =	shalt  }
0x58: {  	_ =	shalt  }
0x59: {  	_ =	shalt  }
0x5a: {  	_ =	shalt  }
0x5b: {  	_ =	shalt  }
0x5c: {  	_ =	shalt  }
0x5d: {  	_ =	shalt  }
0x5e: {  	_ =	shalt  }
0x5f: {  	_ =	shalt  }
0x60: {  	_ =	shalt  }
0x61: {  	_ =	shalt  }
0x62: {  	_ =	shalt  }
0x63: {  	_ =	shalt  }
0x64: {  	_ =	shalt  }
0x65: {  	_ =	shalt  }
0x66: {  	_ =	shalt  }
0x67: {  	_ =	shalt  }
0x68: {  	_ =	shalt  }
0x69: {  	_ =	shalt  }
0x6a: {  	_ =	shalt  }
0x6b: {  	_ =	shalt  }
0x6c: {  	_ =	shalt  }
0x6d: {  	_ =	shalt  }
0x6e: {  	_ =	shalt  }
0x6f: {  	_ =	shalt  }
0x70: {  	_ =	shalt  }
0x71: {  	_ =	shalt  }
0x72: {  	_ =	shalt  }
0x73: {  	_ =	shalt  }
0x74: {  	_ =	shalt  }
0x75: {  	_ =	shalt  }
0x76: {  	_ =	shalt  }
0x77: {  	_ =	shalt  }
0x78: {  	_ =	shalt  }
0x79: {  	_ =	shalt  }
0x7a: {  	_ =	shalt  }
0x7b: {  	_ =	shalt  }
0x7c: {  	_ =	shalt  }
0x7d: {  	_ =	shalt  }
0x7e: {  	_ =	shalt  }
0x7f: {  	_ =	shalt  }
0x80: {  	_ =	shalt  }
0x81: {  	_ =	shalt  }
0x82: {  	_ =	shalt  }
0x83: {  	_ =	shalt  }
0x84: {  	_ =	shalt  }
0x85: {  	_ =	shalt  }
0x86: {  	_ =	shalt  }
0x87: {  	_ =	shalt  }
.Lfunc_end0:
.L_simem_size_0:
called_computation.1_lowered:
.L_overlay_start_0:
0x88: {  	s2 =	sld [smem:$0x3FD9]  }
0x89: {  	s3 =	sld [smem:$0x3FFE];
	_ =	sdelay $0x1  }
0x8a: {  	s1 =	srdreg.scid  }
0x8b: {  	s0 =	sand.u32 $0x1, s1  }
0x8c: {  	s16 =	sshll.u32 s0, $0xA;
	s2 =	sadd.s32 s3, s2  }
0x8d: {  	s2 =	sadd.s32 s2, s16  }
0x8e: {  	[smem:$0x3FB7] =	sst s2  }
0x8f: {  	_ = 	snop  }
0x90: {  	(tm) =	ssettm $0x1  }
0x91: {  	s17 =	sld [smem:$0x3FFB];
	_ =	sdelay $0x3  }
0x92: {  	_ =	strace s17  }
0x93: {  	s2 =	sld [smem:$0x3FFC];
	_ =	sdelay $0x3  }
0x94: {  	_ =	strace s2  }
0x95: {  	s2 =	sld [smem:$0x3FFD];
	_ =	sdelay $0x3  }
0x96: {  	_ =	strace s2  }
0x97: {  	_ =	strace $0x8FFFFFFF  }
0x98: {  	s18 =	sld [smem:$0x3FDB];
	_ =	sdelay $0x1  }
0x99: {  	s19 =	simm.s32 $_scs_section_size  }
0x9a: {  	s4 =	simm.s32 $_size__tile_overlayer_lowered;
	s5 =	simm.s32 $_tile_overlayer_lowered  }
0x9b: {  	s22 =	simm.s32 $0x1BFF;
	s21 =	sshll.u32 s5, $0x1;
	s2 =	sadd.s32 s19, s18  }
0x9c: {  	s6 =	simm.s32 $0x0;
	s20 =	sshll.u32 s4, $0x1;
	s4 =	sadd.s32 s21, s2  }
0x9d: {  	[timem:s6], [sflag:s22] =	dma.local [hbm:s4], s20  }
0x9e: {  	_ =	swait.ge [sflag:s22], s20  }
0x9f: {  	s3 =	ssub.s32 $0x0, s20;
	[sflag:s22] =	ssyncset.done $0x0  }
0xa0: {  	[sflag:s22] =	ssyncadd.s32 s3;
	_ =	sdelay $0x1  }
0xa1: {  	s23 =	simm.s32 $0x1B8B  }
0xa2: {  	_ =	swait.ge [sflag:s23], $0x1  }
0xa3: {  	[sflag:s23] =	ssyncset.done $0x0  }
0xa4: {  	s25 =	simm.s32 $0x1B8E;
	s24 =	sld [smem:$0x3FFE];
	[sflag:s23] =	ssyncadd.s32 $0xFFFFFFFF  }
0xa5: {  	s26 =	simm.s32 $execute0_lowered;
	[smem:$0x3FD2] =	sst s25  }
0xa6: {  	s4 =	sshll.u32 s26, $0x1;
	_ =	strace $0x80000049;
	[dreg:$0x1] =	wrdreg $0xFFFFFFFF  }
0xa7: {  	s28 =	simm.s32 $_size_execute0_lowered;
	s2 =	sadd.s32 s2, s4;
	[dreg:$0x0] =	wrdreg $0x0  }
0xa8: {  	s4 =	sshll.u32 s28, $0x1;
	[dreg:$0x2] =	wrdreg s2  }
0xa9: {  	[dreg:$0x3] =	wrdreg s4  }
0xaa: {  	[dreg:$0x4] =	wrdreg $0xC0  }
0xab: {  	_ =	task [dreg:s6], $0x5FFFF  }
0xac: {  	[dreg:$0x1] =	wrdreg $0xFFFFFFFF  }
0xad: {  	[dreg:$0x0] =	wrdreg $0x60  }
0xae: {  	[dreg:$0x2] =	wrdreg s24  }
0xaf: {  	[dreg:$0x3] =	wrdreg $0xA8000  }
0xb0: {  	[dreg:$0x4] =	wrdreg $0x9  }
0xb1: {  	_ =	task.clear_ibuf [dreg:s6], $0x5FFFF;
	_ =	strace $0x90000049  }
0xb2: {  	s29 =	simm.s32 $0x9;
	_ =	strace $0x8000004B  }
0xb3: {  	_ =	swait.ge [sflag:s29], $0x1  }
0xb4: {  	[sflag:s29] =	ssyncadd.s32 $0xFFFFFFFF  }
0xb5: {  	_ =	strace $0x9000004B  }
0xb6: {  	_ =	sfence  }
0xb7: {  	s30 =	sld [smem:$0x0];
	_ =	sdelay $0x2  }
0xb8: {  	s31 =	sshll.u32 s1, $0xD;
	s1 =	sshrl.u32 s1, $0x2  }
0xb9: {  	s3 =	sand.u32 $0x4000, s31;
	s1 =	sadd.s32 s1, s30  }
0xba: {  	s0 =	sor.u32 s3, s0;
	s1 =	sshll.u32 s1, $0x11  }
0xbb: {  	s0 =	sor.u32 s1, s0  }
0xbc: {  	s0 =	sadd.s32 $0x8F2B, s0  }
0xbd: {  	[sflag:s0] =	ssyncadd.remote.s32 $0x1  }
0xbe: {  	_ =	sfence.sel $0xFFFF  }
0xbf: {  	[dreg:$0x0] =	wrdreg $0xFFFFFFFF;
	(pc) =	sbr.abs _section_cstart, $3  }
0xc0: {  	[dreg:$0x1] =	wrdreg $0xFFFFFFFF  }
0xc1: {  	_ =	task.clear_ibuf [dreg:s6], $0x2FFFF;
	_ =	strace $0x9FFFFFFF  }
0xc2: {  	(tm) =	ssettm $0x7FFFFFFF  }
0xc3: {  	_ =	shalt  }
tec
execute0_lowered:
.L_overlay_start_1:
0x0: {  	(tag) =	ssettag $0x1  }
0x1: {  	s0 =	rddreg [dreg:$0x0]  }
0x2: {  	s1 =	rddreg [dreg:$0x1];
	s2 =	srdreg.scid  }
0x3: {  	s3 =	simm.s32 $0x0;
	s24 =	stileid.u32;
	s19 =	simm.s32 $0x2800  }
0x4: {  	s20 =	simm.s32 $0x3;
	s21 =	simm.s32 $0x1400;
	s22 =	simm.s32 $0x80  }
0x5: {  	s23 =	simm.s32 $0x6800;
	s28 =	simm.s32 $0x2780;
	s29 =	simm.s32 $0x0  }
0x6: {  	s5 =	sand.u32 $0x1, s2;
	[smem:$0x7FF] =	sst s3;
	s7 =	smul.u32 $0x2800, s24  }
0x7: {  	s4 =	sadd.s32 $0x17A00, s0;
	s17 =	sadd.s32 $0xDA00, s0;
	s8 =	smul.u32 $0x50000, s24  }
0x8: {  	s18 =	sadd.s32 $0x3A00, s0;
	s6 =	smul.u32 $0x28000, s5;
	s25 =	ssub.s32 $0x2, s5  }
0x9: {  	_ =	strace $0x8000004A;
	s5 =	sshll.u32 s5, $0x4;
	s26 =	sshrl.u32 s25, $0x1  }
0xa: {  	s30 =	sshrl.u32 s8, $0x2;
	s12 =	sor.u32 s24, s5;
	s24 =	simm.s32 $0x1  }
0xb: {  	s6 =	sadd.s32 s7, s6;
	s7 =	ssub.s32 s25, s26;
	s5 =	sadd.s32 s30, s1  }
0xc: {  	s31 =	smul.u32 $0x500, s12;
	s25 =	simm.s32 $0x2;
	s26 =	simm.s32 $0x2700  }
0xd: {  	s0 =	sadd.s32 s6, s0;
	s7 =	smax.u32 s7, $0x1;
	s8 =	sadd.s32 $0x2800, s5  }
0xe: {  	s9 =	sadd.s32 $0x5000, s5;
	s10 =	sadd.s32 $0x7800, s5;
	s11 =	sadd.s32 $0xA000, s5  }
0xf: {  	s12 =	sadd.s32 $0xC800, s5;
	s13 =	sadd.s32 $0xF000, s5;
	s14 =	sadd.s32 $0x11800, s5  }
0x10: {  	s6 =	sadd.s32 $0x3EC00, s0;
	s15 =	sadd.s32 s17, s31;
	s0 =	sadd.s32 $0x280, s31  }
0x11: {  	v0 =	vimm.f32 $0.0e+00;
	s16 =	sadd.s32 s18, s31;
	s17 =	sadd.s32 s17, s0;
	s18 =	sadd.s32 s18, s0  }
.LBB2_1:
0x12: {  	s0 =	sand.u32 $0xFE00, s3  }
0x13: {  	s31 =	sand.u32 $0x70, s3;
	s0 =	sshrl.u32 s0, $0x2  }
0x14: {  	s30 =	simm.s32 $0x40;
	s0 =	sor.u32 s31, s0;
	s31 =	simm.s32 $0x0  }
.LBB2_2:
0x15: {  	p0 =	sne.s32 s30, $0x9FC0  }
0x16: {  	[tilespmem:s0+$0x2800] =	vst v0;
	s31 =	sadd.s32 $0x10, s31;
	s0 =	smov.u32 s30;
	s30 =	sadd.s32 $0x40, s30  }
.Ltmp0:
0x17: {  	(pc) =	sbr.rel @p0 .LBB2_2-.Ltmp0, $4  }
0x18: {  	_ = 	snop  }
0x19: {  	s0 =	sand.u32 $0xFE00, s0  }
0x1a: {  	s2 =	sand.u32 $0x70, s31;
	s0 =	sshrl.u32 s0, $0x2  }
0x1b: {  	s0 =	sor.u32 s2, s0  }
0x1c: {  	[tilespmem:s0+$0x2800] =	vst v0  }
0x1d: {  	[spmem:s5] =	stream.linear.scatter [tilespmem:s19], [sflag:$0x3], $0x2800, $0x38;
	[tilespmem:$0x1E800] =	vst v63  }
0x1e: {  	_ =	swait.ge [sflag:s20], $0x2800  }
0x1f: {  	[sflag:s20] =	ssyncset.done $0x0  }
0x20: {  	[sflag:s20] =	ssyncadd.s32 $0xFFFFD800  }
0x21: {  	[spmem:s8] =	stream.linear.scatter [tilespmem:s19], [sflag:$0x3], $0x2800, $0x38;
	[tilespmem:$0x1E800] =	vst v63  }
0x22: {  	_ =	swait.ge [sflag:s20], $0x2800  }
0x23: {  	[sflag:s20] =	ssyncset.done $0x0  }
0x24: {  	[sflag:s20] =	ssyncadd.s32 $0xFFFFD800  }
0x25: {  	[spmem:s9] =	stream.linear.scatter [tilespmem:s19], [sflag:$0x3], $0x2800, $0x38;
	[tilespmem:$0x1E800] =	vst v63  }
0x26: {  	_ =	swait.ge [sflag:s20], $0x2800  }
0x27: {  	[sflag:s20] =	ssyncset.done $0x0  }
0x28: {  	[sflag:s20] =	ssyncadd.s32 $0xFFFFD800  }
0x29: {  	[spmem:s10] =	stream.linear.scatter [tilespmem:s19], [sflag:$0x3], $0x2800, $0x38;
	[tilespmem:$0x1E800] =	vst v63  }
0x2a: {  	_ =	swait.ge [sflag:s20], $0x2800  }
0x2b: {  	[sflag:s20] =	ssyncset.done $0x0  }
0x2c: {  	[sflag:s20] =	ssyncadd.s32 $0xFFFFD800  }
0x2d: {  	[spmem:s11] =	stream.linear.scatter [tilespmem:s19], [sflag:$0x3], $0x2800, $0x38;
	[tilespmem:$0x1E800] =	vst v63  }
0x2e: {  	_ =	swait.ge [sflag:s20], $0x2800  }
0x2f: {  	[sflag:s20] =	ssyncset.done $0x0  }
0x30: {  	[sflag:s20] =	ssyncadd.s32 $0xFFFFD800  }
0x31: {  	[spmem:s12] =	stream.linear.scatter [tilespmem:s19], [sflag:$0x3], $0x2800, $0x38;
	[tilespmem:$0x1E800] =	vst v63  }
0x32: {  	_ =	swait.ge [sflag:s20], $0x2800  }
0x33: {  	[sflag:s20] =	ssyncset.done $0x0  }
0x34: {  	[sflag:s20] =	ssyncadd.s32 $0xFFFFD800  }
0x35: {  	[spmem:s13] =	stream.linear.scatter [tilespmem:s19], [sflag:$0x3], $0x2800, $0x38;
	[tilespmem:$0x1E800] =	vst v63  }
0x36: {  	_ =	swait.ge [sflag:s20], $0x2800  }
0x37: {  	[sflag:s20] =	ssyncset.done $0x0  }
0x38: {  	[sflag:s20] =	ssyncadd.s32 $0xFFFFD800  }
0x39: {  	[spmem:s14] =	stream.linear.scatter [tilespmem:s19], [sflag:$0x3], $0x2800, $0x38;
	[tilespmem:$0x1E800] =	vst v63  }
0x3a: {  	_ =	swait.ge [sflag:s20], $0x2800  }
0x3b: {  	[sflag:s20] =	ssyncset.done $0x0  }
0x3c: {  	[sflag:s20] =	ssyncadd.s32 $0xFFFFD800  }
0x3d: {  	s2 =	simm.s32 $0x0;
	[bflag:$0x0] =	sbarrier.arrive $0xFFFF  }
0x3e: {  	[tilespmem:s2], [sflag:$0x3] =	stream.linear.gather [hbm4b:s15+s2], $0x1400, $0x38;
	[tilespmem:$0x1E800] =	vst v63  }
0x3f: {  	_ =	swait.ge [sflag:s20], $0x1400  }
0x40: {  	[sflag:s20] =	ssyncset.done $0x0  }
0x41: {  	[sflag:s20] =	ssyncadd.s32 $0xFFFFEC00  }
0x42: {  	[tilespmem:s21], [sflag:$0x3] =	stream.linear.gather [hbm4b:s16+s2], $0x1400, $0x38;
	[tilespmem:$0x1E800] =	vst v63  }
0x43: {  	_ =	swait.ge [sflag:s20], $0x1400  }
0x44: {  	[sflag:s20] =	ssyncset.done $0x0  }
0x45: {  	[sflag:s20] =	ssyncadd.s32 $0xFFFFEC00  }
0x46: {  	[tilespmem:s19], [sflag:$0x1] =	stream.indirect.gather [hbm4b:s4+s22], $0x80, s2, s22, $0xb8;
	[tilespmem:$0x1E800] =	vst v63  }
0x47: {  	_ = 	snop  }
0x48: {  	[tilespmem:s23], [sflag:$0x2] =	stream.indirect.gather [hbm4b:s4+s22], $0x80, s22, s22, $0xb8;
	[tilespmem:$0x1E800] =	vst v63  }
0x49: {  	_ =	swait.ge [sflag:s24], $0x4000  }
0x4a: {  	[sflag:s24] =	ssyncset.done $0x0  }
0x4b: {  	s31 =	simm.s32 $0x1400;
	[sflag:s24] =	ssyncadd.s32 $0xFFFFC000  }
0x4c: {  	[spmem:s1] =	stream.indirect.scatter.add.f32 [tilespmem:s19], [sflag:$0x3], $0x80, s31, s22, $0xb8;
	[tilespmem:$0x1E800] =	vst v63  }
0x4d: {  	_ =	swait.ge [sflag:s20], $0x4000  }
0x4e: {  	[sflag:s20] =	ssyncset.done $0x0  }
0x4f: {  	s2 =	simm.s32 $0x100;
	[sflag:s20] =	ssyncadd.s32 $0xFFFFC000  }
0x50: {  	[tilespmem:s19], [sflag:$0x1] =	stream.indirect.gather [hbm4b:s4+s22], $0x80, s2, s22, $0xb8;
	[tilespmem:$0x1E800] =	vst v63  }
0x51: {  	_ =	swait.ge [sflag:s25], $0x4000  }
0x52: {  	[sflag:s25] =	ssyncset.done $0x0  }
0x53: {  	s31 =	simm.s32 $0x1480;
	[sflag:s25] =	ssyncadd.s32 $0xFFFFC000  }
0x54: {  	[spmem:s1] =	stream.indirect.scatter.add.f32 [tilespmem:s23], [sflag:$0x3], $0x80, s31, s22, $0xb8;
	[tilespmem:$0x1E800] =	vst v63  }
0x55: {  	_ =	swait.ge [sflag:s20], $0x4000  }
0x56: {  	[sflag:s20] =	ssyncset.done $0x0  }
0x57: {  	s30 =	simm.s32 $0x400;
	s0 =	simm.s32 $0x180;
	[sflag:s20] =	ssyncadd.s32 $0xFFFFC000  }
.LBB2_4:
0x58: {  	[tilespmem:s23], [sflag:$0x2] =	stream.indirect.gather [hbm4b:s4+s22], $0x80, s0, s22, $0xb8;
	[tilespmem:$0x1E800] =	vst v63  }
0x59: {  	s0 =	smov.u32 s30  }
0x5a: {  	p0 =	sne.s32 s30, $0x4800;
	s30 =	sadd.s32 $0x400, s30;
	_ =	swait.ge [sflag:s24], $0x4000  }
0x5b: {  	s0 =	sshra.s32 s0, $0x2;
	[sflag:s24] =	ssyncset.done $0x0  }
0x5c: {  	s2 =	sadd.s32 $0x1400, s0;
	[sflag:s24] =	ssyncadd.s32 $0xFFFFC000  }
0x5d: {  	[spmem:s1] =	stream.indirect.scatter.add.f32 [tilespmem:s19], [sflag:$0x3], $0x80, s2, s22, $0xb8;
	[tilespmem:$0x1E800] =	vst v63  }
0x5e: {  	_ =	swait.ge [sflag:s20], $0x4000  }
0x5f: {  	[sflag:s20] =	ssyncset.done $0x0  }
0x60: {  	s2 =	sadd.s32 $0x100, s0;
	[sflag:s20] =	ssyncadd.s32 $0xFFFFC000  }
0x61: {  	[tilespmem:s19], [sflag:$0x1] =	stream.indirect.gather [hbm4b:s4+s22], $0x80, s2, s22, $0xb8;
	[tilespmem:$0x1E800] =	vst v63  }
0x62: {  	_ =	swait.ge [sflag:s25], $0x4000  }
0x63: {  	[sflag:s25] =	ssyncset.done $0x0  }
.Ltmp1:
0x64: {  	s2 =	sadd.s32 $0x1480, s0;
	[sflag:s25] =	ssyncadd.s32 $0xFFFFC000;
	(pc) =	sbr.rel @p0 .LBB2_4-.Ltmp1, $4  }
0x65: {  	[spmem:s1] =	stream.indirect.scatter.add.f32 [tilespmem:s23], [sflag:$0x3], $0x80, s2, s22, $0xb8;
	[tilespmem:$0x1E800] =	vst v63  }
0x66: {  	_ =	swait.ge [sflag:s20], $0x4000  }
0x67: {  	[sflag:s20] =	ssyncset.done $0x0  }
0x68: {  	s0 =	sadd.s32 $0x180, s0;
	[sflag:s20] =	ssyncadd.s32 $0xFFFFC000  }
0x69: {  	[tilespmem:s23], [sflag:$0x2] =	stream.indirect.gather [hbm4b:s4+s22], $0x80, s0, s22, $0xb8;
	[tilespmem:$0x1E800] =	vst v63  }
0x6a: {  	_ =	swait.ge [sflag:s24], $0x4000  }
0x6b: {  	[sflag:s24] =	ssyncset.done $0x0  }
0x6c: {  	[sflag:s24] =	ssyncadd.s32 $0xFFFFC000  }
0x6d: {  	[spmem:s1] =	stream.indirect.scatter.add.f32 [tilespmem:s19], [sflag:$0x3], $0x80, s26, s22, $0xb8;
	[tilespmem:$0x1E800] =	vst v63  }
0x6e: {  	_ =	swait.ge [sflag:s20], $0x4000  }
0x6f: {  	[sflag:s20] =	ssyncset.done $0x0  }
0x70: {  	[sflag:s20] =	ssyncadd.s32 $0xFFFFC000  }
0x71: {  	_ =	swait.ge [sflag:s25], $0x4000  }
0x72: {  	[sflag:s25] =	ssyncset.done $0x0  }
0x73: {  	[sflag:s25] =	ssyncadd.s32 $0xFFFFC000  }
0x74: {  	[spmem:s1] =	stream.indirect.scatter.add.f32 [tilespmem:s23], [sflag:$0x3], $0x80, s28, s22, $0xb8;
	[tilespmem:$0x1E800] =	vst v63  }
0x75: {  	_ =	swait.ge [sflag:s20], $0x4000  }
0x76: {  	[sflag:s20] =	ssyncset.done $0x0  }
0x77: {  	s2 =	simm.s32 $0x0;
	[sflag:s20] =	ssyncadd.s32 $0xFFFFC000  }
0x78: {  	[tilespmem:s2], [sflag:$0x3] =	stream.linear.gather [hbm4b:s17+s2], $0x1400, $0x38;
	[tilespmem:$0x1E800] =	vst v63  }
0x79: {  	_ =	swait.ge [sflag:s20], $0x1400  }
0x7a: {  	[sflag:s20] =	ssyncset.done $0x0  }
0x7b: {  	[sflag:s20] =	ssyncadd.s32 $0xFFFFEC00  }
0x7c: {  	[tilespmem:s21], [sflag:$0x3] =	stream.linear.gather [hbm4b:s18+s2], $0x1400, $0x38;
	[tilespmem:$0x1E800] =	vst v63  }
0x7d: {  	_ =	swait.ge [sflag:s20], $0x1400  }
0x7e: {  	[sflag:s20] =	ssyncset.done $0x0  }
0x7f: {  	[sflag:s20] =	ssyncadd.s32 $0xFFFFEC00  }
0x80: {  	[tilespmem:s19], [sflag:$0x1] =	stream.indirect.gather [hbm4b:s4+s22], $0x80, s2, s22, $0xb8;
	[tilespmem:$0x1E800] =	vst v63  }
0x81: {  	_ = 	snop  }
0x82: {  	[tilespmem:s23], [sflag:$0x2] =	stream.indirect.gather [hbm4b:s4+s22], $0x80, s22, s22, $0xb8;
	[tilespmem:$0x1E800] =	vst v63  }
0x83: {  	_ =	swait.ge [sflag:s24], $0x4000  }
0x84: {  	[sflag:s24] =	ssyncset.done $0x0  }
0x85: {  	s31 =	simm.s32 $0x1400;
	[sflag:s24] =	ssyncadd.s32 $0xFFFFC000  }
0x86: {  	[spmem:s1] =	stream.indirect.scatter.add.f32 [tilespmem:s19], [sflag:$0x3], $0x80, s31, s22, $0xb8;
	[tilespmem:$0x1E800] =	vst v63  }
0x87: {  	_ =	swait.ge [sflag:s20], $0x4000  }
0x88: {  	[sflag:s20] =	ssyncset.done $0x0  }
0x89: {  	s2 =	simm.s32 $0x100;
	[sflag:s20] =	ssyncadd.s32 $0xFFFFC000  }
0x8a: {  	[tilespmem:s19], [sflag:$0x1] =	stream.indirect.gather [hbm4b:s4+s22], $0x80, s2, s22, $0xb8;
	[tilespmem:$0x1E800] =	vst v63  }
0x8b: {  	_ =	swait.ge [sflag:s25], $0x4000  }
0x8c: {  	[sflag:s25] =	ssyncset.done $0x0  }
0x8d: {  	s31 =	simm.s32 $0x1480;
	[sflag:s25] =	ssyncadd.s32 $0xFFFFC000  }
0x8e: {  	[spmem:s1] =	stream.indirect.scatter.add.f32 [tilespmem:s23], [sflag:$0x3], $0x80, s31, s22, $0xb8;
	[tilespmem:$0x1E800] =	vst v63  }
0x8f: {  	_ =	swait.ge [sflag:s20], $0x4000  }
0x90: {  	[sflag:s20] =	ssyncset.done $0x0  }
0x91: {  	s30 =	simm.s32 $0x400;
	s0 =	simm.s32 $0x180;
	[sflag:s20] =	ssyncadd.s32 $0xFFFFC000  }
.LBB2_6:
0x92: {  	[tilespmem:s23], [sflag:$0x2] =	stream.indirect.gather [hbm4b:s4+s22], $0x80, s0, s22, $0xb8;
	[tilespmem:$0x1E800] =	vst v63  }
0x93: {  	s0 =	smov.u32 s30  }
0x94: {  	p0 =	sne.s32 s30, $0x4800;
	s30 =	sadd.s32 $0x400, s30;
	_ =	swait.ge [sflag:s24], $0x4000  }
0x95: {  	s0 =	sshra.s32 s0, $0x2;
	[sflag:s24] =	ssyncset.done $0x0  }
0x96: {  	s2 =	sadd.s32 $0x1400, s0;
	[sflag:s24] =	ssyncadd.s32 $0xFFFFC000  }
0x97: {  	[spmem:s1] =	stream.indirect.scatter.add.f32 [tilespmem:s19], [sflag:$0x3], $0x80, s2, s22, $0xb8;
	[tilespmem:$0x1E800] =	vst v63  }
0x98: {  	_ =	swait.ge [sflag:s20], $0x4000  }
0x99: {  	[sflag:s20] =	ssyncset.done $0x0  }
0x9a: {  	s2 =	sadd.s32 $0x100, s0;
	[sflag:s20] =	ssyncadd.s32 $0xFFFFC000  }
0x9b: {  	[tilespmem:s19], [sflag:$0x1] =	stream.indirect.gather [hbm4b:s4+s22], $0x80, s2, s22, $0xb8;
	[tilespmem:$0x1E800] =	vst v63  }
0x9c: {  	_ =	swait.ge [sflag:s25], $0x4000  }
0x9d: {  	[sflag:s25] =	ssyncset.done $0x0  }
.Ltmp2:
0x9e: {  	s2 =	sadd.s32 $0x1480, s0;
	[sflag:s25] =	ssyncadd.s32 $0xFFFFC000;
	(pc) =	sbr.rel @p0 .LBB2_6-.Ltmp2, $4  }
0x9f: {  	[spmem:s1] =	stream.indirect.scatter.add.f32 [tilespmem:s23], [sflag:$0x3], $0x80, s2, s22, $0xb8;
	[tilespmem:$0x1E800] =	vst v63  }
0xa0: {  	_ =	swait.ge [sflag:s20], $0x4000  }
0xa1: {  	[sflag:s20] =	ssyncset.done $0x0  }
0xa2: {  	s0 =	sadd.s32 $0x180, s0;
	[sflag:s20] =	ssyncadd.s32 $0xFFFFC000  }
0xa3: {  	[tilespmem:s23], [sflag:$0x2] =	stream.indirect.gather [hbm4b:s4+s22], $0x80, s0, s22, $0xb8;
	[tilespmem:$0x1E800] =	vst v63  }
0xa4: {  	_ =	swait.ge [sflag:s24], $0x4000  }
0xa5: {  	[sflag:s24] =	ssyncset.done $0x0  }
0xa6: {  	[sflag:s24] =	ssyncadd.s32 $0xFFFFC000  }
0xa7: {  	[spmem:s1] =	stream.indirect.scatter.add.f32 [tilespmem:s19], [sflag:$0x3], $0x80, s26, s22, $0xb8;
	[tilespmem:$0x1E800] =	vst v63  }
0xa8: {  	_ =	swait.ge [sflag:s20], $0x4000  }
0xa9: {  	[sflag:s20] =	ssyncset.done $0x0  }
0xaa: {  	[sflag:s20] =	ssyncadd.s32 $0xFFFFC000  }
0xab: {  	_ =	swait.ge [sflag:s25], $0x4000  }
0xac: {  	[sflag:s25] =	ssyncset.done $0x0  }
0xad: {  	[sflag:s25] =	ssyncadd.s32 $0xFFFFC000  }
0xae: {  	[spmem:s1] =	stream.indirect.scatter.add.f32 [tilespmem:s23], [sflag:$0x3], $0x80, s28, s22, $0xb8;
	[tilespmem:$0x1E800] =	vst v63  }
0xaf: {  	s31 =	stileid.u32;
	_ =	swait.ge [sflag:s20], $0x4000  }
0xb0: {  	s2 =	sshrl.u32 s5, $0x3;
	s29 =	sadd.s32 $0x1, s29;
	[sflag:s20] =	ssyncset.done $0x0  }
0xb1: {  	s0 =	sshll.u32 s31, $0x6;
	p0 =	sne.s32 s29, s7;
	[sflag:s20] =	ssyncadd.s32 $0xFFFFC000  }
.Ltmp3:
0xb2: {  	s0 =	sor.u32 $0x1C03, s0;
	[bflag:$0x0] =	sbarrier.arrive $0xFFFF;
	(pc) =	sbr.rel @p0 .LBB2_1-.Ltmp3, $4  }
0xb3: {  	[hbm:s6], [sflag:s0] =	dma.local [spmem:s2], $0x2800  }
0xb4: {  	_ =	swait.ge [sflag:s20], $0x2800  }
0xb5: {  	[sflag:s20] =	ssyncset.done $0x0  }
0xb6: {  	[sflag:s20] =	ssyncadd.s32 $0xFFFFD800  }
0xb7: {  	_ =	sfence.sel $0x180000  }
0xb8: {  	[bflag:$0x0] =	sbarrier.arrive $0xFFFF  }
0xb9: {  	_ =	strace $0x9000004A  }
0xba: {  	s0 =	stileid.u32;
	[bflag:$0x2] =	sbarrier.arrive $0xFFFF  }
0xbb: {  	p0 =	sne.s32 s0, $0x0;
	s0 =	rddreg [dreg:$0x2]  }
0xbc: {  	s0 =	sadd.s32 @!p0 $0x100000, s0  }
0xbd: {  	[sflag:s0] =	ssyncadd.tile.s32 @!p0 $0x1;
	_ =	shalt  }
.Lfunc_end2:
_tile_overlayer_lowered:
.L_overlay_start_2:
0xbe: {  	(tag) =	ssettag $0x2  }
0xbf: {  	s0 =	rddreg [dreg:$0x0];
	s2 =	stileid.u32  }
0xc0: {  	s1 =	rddreg [dreg:$0x1];
	p0 =	sne.s32 s2, $0x0  }
0xc1: {  	s3 =	rddreg [dreg:$0x2];
	[bflag:$0x3] =	sbarrier.arrive $0xFFFF;
	s2 =	simm.s32 @!p0 $0x1C03  }
0xc2: {  	[timem:s3], [sflag:s2] =	dma.local @!p0 [hbm:s0], s1  }
0xc3: {  	s0 =	simm.s32 @!p0 $0x3  }
0xc4: {  	_ =	swait.ge @!p0 [sflag:s0], s1  }
0xc5: {  	s1 =	ssub.s32 @!p0 $0x0, s1;
	[sflag:s0] =	ssyncset.done @!p0 $0x0  }
0xc6: {  	[sflag:s0] =	ssyncadd.s32 @!p0 s1  }
0xc7: {  	[bflag:$0x3] =	sbarrier.arrive $0xFFFF  }
0xc8: {  	_ =	shalt  }

// kernel: kernel.16.cloned.1.call-start
scs
__scs_entry_jumppad:
0x0: {  	(pc) =	sbr.rel $0x88, $3  }
0x1: {  	(tag) =	ssettag $0x0;
	lr =	simm.s32 $0x1  }
0x2: {  	[smem:$0x3F90] =	sst lr;
	_ =	strace $0xD0000000  }
0x3: {  	_ = 	snop  }
0x4: {  	_ = 	snop  }
0x5: {  	_ = 	snop  }
0x6: {  	_ = 	snop  }
0x7: {  	_ = 	snop  }
__scs_overlays_trampoline_lowered:
0x8: {  	[smem:$0x3F9F] =	sst s0  }
0x9: {  	[smem:$0x3FA0] =	sst s1  }
0xa: {  	[smem:$0x3FA1] =	sst s2  }
0xb: {  	[smem:$0x3FA2] =	sst s3  }
0xc: {  	[smem:$0x3FA3] =	sst s4  }
0xd: {  	[smem:$0x3FA4] =	sst s5  }
0xe: {  	[smem:$0x3FA5] =	sst s6  }
0xf: {  	[smem:$0x3FA6] =	sst s7  }
0x10: {  	[smem:$0x3FA7] =	sst s8  }
0x11: {  	[smem:$0x3FA8] =	sst s9;
	s0 =	simm.s32 @!p0 $0x0  }
0x12: {  	s1 =	sld [smem:$0x3F8E];
	s0 =	simm.s32 @p0 $0x1  }
0x13: {  	[smem:$0x3FA9] =	sst s0;
	s0 =	simm.s32 @!p1 $0x0  }
0x14: {  	s2 =	sld [smem:$0x3F8D];
	s0 =	simm.s32 @p1 $0x1  }
0x15: {  	[smem:$0x3FAA] =	sst s0;
	s0 =	simm.s32 @!p2 $0x0  }
0x16: {  	s3 =	sld [smem:$0x3FDB];
	s0 =	simm.s32 @p2 $0x1  }
0x17: {  	s4 =	simm.s32 $0x1BF5;
	[smem:$0x3FAC] =	sst s0  }
0x18: {  	s0 =	sld [smem:$0x3F8F];
	_ =	swait.ge [sflag:s4], $0x0  }
0x19: {  	s7 =	sld [smem:$0x3F90]  }
0x1a: {  	s8 =	sadd.s32 $0xFFFFE003, lr  }
0x1b: {  	s9 =	sadd.s32 $0xFFFFFEF7, lr;
	s5 =	simm.s32 $0xFFFFFFFF;
	p2 =	slt.u32 s8, $0xFFFFF086  }
0x1c: {  	p1 =	slt.u32 s9, $0xF7A;
	s5 =	simm.s32 @!p2 $0x0  }
0x1d: {  	s5 =	simm.s32 @p1 $0x1;
	p0 =	seq.s32 s7, s2  }
0x1e: {  	s7 =	smul.u32 @!p0 $0xF7A, s2;
	p2 =	seq.s32 @!p0 s5, $0x0  }
0x1f: {  	s9 =	smul.u32 $0xF7A, s1;
	s8 =	simm.s32 @!p0 $0x1BF5;
	p2 =	por !p2, p0  }
0x20: {  	[sflag:s8] =	ssyncset.s32 @!p0 $0xFFFFF086;
	s6 =	sadd.s32 @!p0 s3, s7;
	s7 =	simm.s32 @!p0 $0x108  }
0x21: {  	s3 =	sadd.s32 s3, s9;
	s6 =	sadd.s32 @!p0 $0x88, s6;
	s7 =	simm.s32 @p2 $0x1082  }
0x22: {  	[simem:s7], [sflag:s8] =	dma.local @!p0 [hbm:s6], $0xF7A  }
0x23: {  	s9 =	sor.u32 $0xD0000000, s2;
	s6 =	simm.s32 $0x108;
	_ =	swait.ge @!p0 [sflag:s8], $0x0  }
0x24: {  	s3 =	sadd.s32 $0x88, s3;
	s6 =	simm.s32 @!p1 $0x1082;
	[sflag:s4] =	ssyncset.s32 $0xFFFFF086  }
0x25: {  	[simem:s6], [sflag:s4] =	dma.local [hbm:s3], $0xF7A  }
0x26: {  	[smem:$0x3F90] =	sst s1;
	(tag) =	ssettag s2;
	_ =	strace s9  }
0x27: {  	s1 =	sld [smem:$0x3FA0]  }
0x28: {  	s2 =	sld [smem:$0x3FA1]  }
0x29: {  	s4 =	sld [smem:$0x3FA3]  }
0x2a: {  	p0 =	seq.s32 s5, $0x0;
	s5 =	sld [smem:$0x3FA4]  }
0x2b: {  	s6 =	sld [smem:$0x3FA5]  }
0x2c: {  	s7 =	sld [smem:$0x3FA6]  }
0x2d: {  	s3 =	simm.s32 $0x108;
	s8 =	sld [smem:$0x3FA7]  }
0x2e: {  	s3 =	simm.s32 @!p0 $0x1082;
	s9 =	sld [smem:$0x3FA8]  }
0x2f: {  	lr =	sadd.s32 s0, s3;
	s0 =	sld [smem:$0x3F9F]  }
0x30: {  	s3 =	sld [smem:$0x3FA2]  }
0x31: {  	[smem:$0x3FAB] =	sst s10  }
0x32: {  	s10 =	sld [smem:$0x3FA9];
	_ =	sdelay $0x3  }
0x33: {  	p0 =	seq.s32 s10, $0x1;
	s10 =	sld [smem:$0x3FAB];
	_ =	sdelay $0x3  }
0x34: {  	[smem:$0x3FAB] =	sst s10  }
0x35: {  	s10 =	sld [smem:$0x3FAA];
	_ =	sdelay $0x3  }
0x36: {  	p1 =	seq.s32 s10, $0x1;
	s10 =	sld [smem:$0x3FAB];
	_ =	sdelay $0x3  }
0x37: {  	[smem:$0x3FAB] =	sst s10  }
0x38: {  	s10 =	sld [smem:$0x3FAC]  }
0x39: {  	_ = 	snop;
	(pc) =	sbr.ind lr, $3  }
0x3a: {  	_ = 	snop  }
0x3b: {  	_ = 	snop  }
0x3c: {  	p2 =	seq.s32 s10, $0x1;
	s10 =	sld [smem:$0x3FAB]  }
0x3d: {  	_ =	shalt  }
0x3e: {  	_ =	shalt  }
0x3f: {  	_ =	shalt  }
0x40: {  	_ =	shalt  }
0x41: {  	_ =	shalt  }
0x42: {  	_ =	shalt  }
0x43: {  	_ =	shalt  }
0x44: {  	_ =	shalt  }
0x45: {  	_ =	shalt  }
0x46: {  	_ =	shalt  }
0x47: {  	_ =	shalt  }
0x48: {  	_ =	shalt  }
0x49: {  	_ =	shalt  }
0x4a: {  	_ =	shalt  }
0x4b: {  	_ =	shalt  }
0x4c: {  	_ =	shalt  }
0x4d: {  	_ =	shalt  }
0x4e: {  	_ =	shalt  }
0x4f: {  	_ =	shalt  }
0x50: {  	_ =	shalt  }
0x51: {  	_ =	shalt  }
0x52: {  	_ =	shalt  }
0x53: {  	_ =	shalt  }
0x54: {  	_ =	shalt  }
0x55: {  	_ =	shalt  }
0x56: {  	_ =	shalt  }
0x57: {  	_ =	shalt  }
0x58: {  	_ =	shalt  }
0x59: {  	_ =	shalt  }
0x5a: {  	_ =	shalt  }
0x5b: {  	_ =	shalt  }
0x5c: {  	_ =	shalt  }
0x5d: {  	_ =	shalt  }
0x5e: {  	_ =	shalt  }
0x5f: {  	_ =	shalt  }
0x60: {  	_ =	shalt  }
0x61: {  	_ =	shalt  }
0x62: {  	_ =	shalt  }
0x63: {  	_ =	shalt  }
0x64: {  	_ =	shalt  }
0x65: {  	_ =	shalt  }
0x66: {  	_ =	shalt  }
0x67: {  	_ =	shalt  }
0x68: {  	_ =	shalt  }
0x69: {  	_ =	shalt  }
0x6a: {  	_ =	shalt  }
0x6b: {  	_ =	shalt  }
0x6c: {  	_ =	shalt  }
0x6d: {  	_ =	shalt  }
0x6e: {  	_ =	shalt  }
0x6f: {  	_ =	shalt  }
0x70: {  	_ =	shalt  }
0x71: {  	_ =	shalt  }
0x72: {  	_ =	shalt  }
0x73: {  	_ =	shalt  }
0x74: {  	_ =	shalt  }
0x75: {  	_ =	shalt  }
0x76: {  	_ =	shalt  }
0x77: {  	_ =	shalt  }
0x78: {  	_ =	shalt  }
0x79: {  	_ =	shalt  }
0x7a: {  	_ =	shalt  }
0x7b: {  	_ =	shalt  }
0x7c: {  	_ =	shalt  }
0x7d: {  	_ =	shalt  }
0x7e: {  	_ =	shalt  }
0x7f: {  	_ =	shalt  }
0x80: {  	_ =	shalt  }
0x81: {  	_ =	shalt  }
0x82: {  	_ =	shalt  }
0x83: {  	_ =	shalt  }
0x84: {  	_ =	shalt  }
0x85: {  	_ =	shalt  }
0x86: {  	_ =	shalt  }
0x87: {  	_ =	shalt  }
.Lfunc_end0:
.L_simem_size_0:
called_computation.2_lowered:
.L_overlay_start_0:
0x88: {  	s2 =	sld [smem:$0x3FD9]  }
0x89: {  	s3 =	sld [smem:$0x3FFE];
	_ =	sdelay $0x1  }
0x8a: {  	s1 =	srdreg.scid  }
0x8b: {  	s0 =	sand.u32 $0x1, s1  }
0x8c: {  	s16 =	sshll.u32 s0, $0xA;
	s2 =	sadd.s32 s3, s2  }
0x8d: {  	s2 =	sadd.s32 s2, s16  }
0x8e: {  	[smem:$0x3FB7] =	sst s2  }
0x8f: {  	_ = 	snop  }
0x90: {  	(tm) =	ssettm $0x1  }
0x91: {  	s17 =	sld [smem:$0x3FFB];
	_ =	sdelay $0x3  }
0x92: {  	_ =	strace s17  }
0x93: {  	s2 =	sld [smem:$0x3FFC];
	_ =	sdelay $0x3  }
0x94: {  	_ =	strace s2  }
0x95: {  	s2 =	sld [smem:$0x3FFD];
	_ =	sdelay $0x3  }
0x96: {  	_ =	strace s2  }
0x97: {  	_ =	strace $0x8FFFFFFF  }
0x98: {  	s18 =	sld [smem:$0x3FDB];
	_ =	sdelay $0x1  }
0x99: {  	s19 =	simm.s32 $_scs_section_size  }
0x9a: {  	s4 =	simm.s32 $_size__tile_overlayer_lowered;
	s5 =	simm.s32 $_tile_overlayer_lowered  }
0x9b: {  	s22 =	simm.s32 $0x1BFF;
	s21 =	sshll.u32 s5, $0x1;
	s2 =	sadd.s32 s19, s18  }
0x9c: {  	s6 =	simm.s32 $0x0;
	s20 =	sshll.u32 s4, $0x1;
	s4 =	sadd.s32 s21, s2  }
0x9d: {  	[timem:s6], [sflag:s22] =	dma.local [hbm:s4], s20  }
0x9e: {  	_ =	swait.ge [sflag:s22], s20  }
0x9f: {  	s3 =	ssub.s32 $0x0, s20;
	[sflag:s22] =	ssyncset.done $0x0  }
0xa0: {  	[sflag:s22] =	ssyncadd.s32 s3;
	_ =	sdelay $0x1  }
0xa1: {  	s23 =	simm.s32 $0x1B8B  }
0xa2: {  	_ =	swait.ge [sflag:s23], $0x1  }
0xa3: {  	[sflag:s23] =	ssyncset.done $0x0  }
0xa4: {  	s25 =	simm.s32 $0x1B8E;
	s24 =	sld [smem:$0x3FFE];
	[sflag:s23] =	ssyncadd.s32 $0xFFFFFFFF  }
0xa5: {  	s26 =	simm.s32 $execute0_lowered;
	[smem:$0x3FD2] =	sst s25  }
0xa6: {  	s4 =	sshll.u32 s26, $0x1;
	_ =	strace $0x8000004C;
	[dreg:$0x1] =	wrdreg $0xFFFFFFFF  }
0xa7: {  	s28 =	simm.s32 $_size_execute0_lowered;
	s2 =	sadd.s32 s2, s4;
	[dreg:$0x0] =	wrdreg $0x0  }
0xa8: {  	s4 =	sshll.u32 s28, $0x1;
	[dreg:$0x2] =	wrdreg s2  }
0xa9: {  	[dreg:$0x3] =	wrdreg s4  }
0xaa: {  	[dreg:$0x4] =	wrdreg $0xC0  }
0xab: {  	_ =	task [dreg:s6], $0x5FFFF  }
0xac: {  	[dreg:$0x1] =	wrdreg $0xFFFFFFFF  }
0xad: {  	[dreg:$0x0] =	wrdreg $0x60  }
0xae: {  	[dreg:$0x2] =	wrdreg s24  }
0xaf: {  	[dreg:$0x3] =	wrdreg $0xA8000  }
0xb0: {  	[dreg:$0x4] =	wrdreg $0x9  }
0xb1: {  	_ =	task.clear_ibuf [dreg:s6], $0x5FFFF;
	_ =	strace $0x9000004C  }
0xb2: {  	s29 =	simm.s32 $0x9;
	_ =	strace $0x8000004E  }
0xb3: {  	_ =	swait.ge [sflag:s29], $0x1  }
0xb4: {  	[sflag:s29] =	ssyncadd.s32 $0xFFFFFFFF  }
0xb5: {  	_ =	strace $0x9000004E  }
0xb6: {  	_ =	sfence  }
0xb7: {  	s30 =	sld [smem:$0x0];
	_ =	sdelay $0x2  }
0xb8: {  	s31 =	sshll.u32 s1, $0xD;
	s1 =	sshrl.u32 s1, $0x2  }
0xb9: {  	s3 =	sand.u32 $0x4000, s31;
	s1 =	sadd.s32 s1, s30  }
0xba: {  	s0 =	sor.u32 s3, s0;
	s1 =	sshll.u32 s1, $0x11  }
0xbb: {  	s0 =	sor.u32 s1, s0  }
0xbc: {  	s0 =	sadd.s32 $0x8F2B, s0  }
0xbd: {  	[sflag:s0] =	ssyncadd.remote.s32 $0x1  }
0xbe: {  	_ =	sfence.sel $0xFFFF  }
0xbf: {  	[dreg:$0x0] =	wrdreg $0xFFFFFFFF;
	(pc) =	sbr.abs _section_cstart, $3  }
0xc0: {  	[dreg:$0x1] =	wrdreg $0xFFFFFFFF  }
0xc1: {  	_ =	task.clear_ibuf [dreg:s6], $0x2FFFF;
	_ =	strace $0x9FFFFFFF  }
0xc2: {  	(tm) =	ssettm $0x7FFFFFFF  }
0xc3: {  	_ =	shalt  }
tec
execute0_lowered:
.L_overlay_start_1:
0x0: {  	(tag) =	ssettag $0x1  }
0x1: {  	s0 =	rddreg [dreg:$0x0]  }
0x2: {  	s1 =	rddreg [dreg:$0x1];
	s2 =	srdreg.scid  }
0x3: {  	s3 =	simm.s32 $0x0;
	s24 =	stileid.u32;
	s19 =	simm.s32 $0x2800  }
0x4: {  	s20 =	simm.s32 $0x3;
	s21 =	simm.s32 $0x1400;
	s22 =	simm.s32 $0x80  }
0x5: {  	s23 =	simm.s32 $0x6800;
	s28 =	simm.s32 $0x2780;
	s29 =	simm.s32 $0x0  }
0x6: {  	s5 =	sand.u32 $0x1, s2;
	[smem:$0x7FF] =	sst s3;
	s7 =	smul.u32 $0x2800, s24  }
0x7: {  	s4 =	sadd.s32 $0x17A00, s0;
	s17 =	sadd.s32 $0xDA00, s0;
	s8 =	smul.u32 $0x50000, s24  }
0x8: {  	s18 =	sadd.s32 $0x3A00, s0;
	s6 =	smul.u32 $0x28000, s5;
	s25 =	ssub.s32 $0x2, s5  }
0x9: {  	_ =	strace $0x8000004D;
	s5 =	sshll.u32 s5, $0x4;
	s26 =	sshrl.u32 s25, $0x1  }
0xa: {  	s30 =	sshrl.u32 s8, $0x2;
	s12 =	sor.u32 s24, s5;
	s24 =	simm.s32 $0x1  }
0xb: {  	s6 =	sadd.s32 s7, s6;
	s7 =	ssub.s32 s25, s26;
	s5 =	sadd.s32 s30, s1  }
0xc: {  	s31 =	smul.u32 $0x500, s12;
	s25 =	simm.s32 $0x2;
	s26 =	simm.s32 $0x2700  }
0xd: {  	s0 =	sadd.s32 s6, s0;
	s7 =	smax.u32 s7, $0x1;
	s8 =	sadd.s32 $0x2800, s5  }
0xe: {  	s9 =	sadd.s32 $0x5000, s5;
	s10 =	sadd.s32 $0x7800, s5;
	s11 =	sadd.s32 $0xA000, s5  }
0xf: {  	s12 =	sadd.s32 $0xC800, s5;
	s13 =	sadd.s32 $0xF000, s5;
	s14 =	sadd.s32 $0x11800, s5  }
0x10: {  	s6 =	sadd.s32 $0x3EC00, s0;
	s15 =	sadd.s32 s17, s31;
	s0 =	sadd.s32 $0x280, s31  }
0x11: {  	v0 =	vimm.f32 $0.0e+00;
	s16 =	sadd.s32 s18, s31;
	s17 =	sadd.s32 s17, s0;
	s18 =	sadd.s32 s18, s0  }
.LBB2_1:
0x12: {  	s0 =	sand.u32 $0xFE00, s3  }
0x13: {  	s31 =	sand.u32 $0x70, s3;
	s0 =	sshrl.u32 s0, $0x2  }
0x14: {  	s30 =	simm.s32 $0x40;
	s0 =	sor.u32 s31, s0;
	s31 =	simm.s32 $0x0  }
.LBB2_2:
0x15: {  	p0 =	sne.s32 s30, $0x9FC0  }
0x16: {  	[tilespmem:s0+$0x2800] =	vst v0;
	s31 =	sadd.s32 $0x10, s31;
	s0 =	smov.u32 s30;
	s30 =	sadd.s32 $0x40, s30  }
.Ltmp0:
0x17: {  	(pc) =	sbr.rel @p0 .LBB2_2-.Ltmp0, $4  }
0x18: {  	_ = 	snop  }
0x19: {  	s0 =	sand.u32 $0xFE00, s0  }
0x1a: {  	s2 =	sand.u32 $0x70, s31;
	s0 =	sshrl.u32 s0, $0x2  }
0x1b: {  	s0 =	sor.u32 s2, s0  }
0x1c: {  	[tilespmem:s0+$0x2800] =	vst v0  }
0x1d: {  	[spmem:s5] =	stream.linear.scatter [tilespmem:s19], [sflag:$0x3], $0x2800, $0x38;
	[tilespmem:$0x1E800] =	vst v63  }
0x1e: {  	_ =	swait.ge [sflag:s20], $0x2800  }
0x1f: {  	[sflag:s20] =	ssyncset.done $0x0  }
0x20: {  	[sflag:s20] =	ssyncadd.s32 $0xFFFFD800  }
0x21: {  	[spmem:s8] =	stream.linear.scatter [tilespmem:s19], [sflag:$0x3], $0x2800, $0x38;
	[tilespmem:$0x1E800] =	vst v63  }
0x22: {  	_ =	swait.ge [sflag:s20], $0x2800  }
0x23: {  	[sflag:s20] =	ssyncset.done $0x0  }
0x24: {  	[sflag:s20] =	ssyncadd.s32 $0xFFFFD800  }
0x25: {  	[spmem:s9] =	stream.linear.scatter [tilespmem:s19], [sflag:$0x3], $0x2800, $0x38;
	[tilespmem:$0x1E800] =	vst v63  }
0x26: {  	_ =	swait.ge [sflag:s20], $0x2800  }
0x27: {  	[sflag:s20] =	ssyncset.done $0x0  }
0x28: {  	[sflag:s20] =	ssyncadd.s32 $0xFFFFD800  }
0x29: {  	[spmem:s10] =	stream.linear.scatter [tilespmem:s19], [sflag:$0x3], $0x2800, $0x38;
	[tilespmem:$0x1E800] =	vst v63  }
0x2a: {  	_ =	swait.ge [sflag:s20], $0x2800  }
0x2b: {  	[sflag:s20] =	ssyncset.done $0x0  }
0x2c: {  	[sflag:s20] =	ssyncadd.s32 $0xFFFFD800  }
0x2d: {  	[spmem:s11] =	stream.linear.scatter [tilespmem:s19], [sflag:$0x3], $0x2800, $0x38;
	[tilespmem:$0x1E800] =	vst v63  }
0x2e: {  	_ =	swait.ge [sflag:s20], $0x2800  }
0x2f: {  	[sflag:s20] =	ssyncset.done $0x0  }
0x30: {  	[sflag:s20] =	ssyncadd.s32 $0xFFFFD800  }
0x31: {  	[spmem:s12] =	stream.linear.scatter [tilespmem:s19], [sflag:$0x3], $0x2800, $0x38;
	[tilespmem:$0x1E800] =	vst v63  }
0x32: {  	_ =	swait.ge [sflag:s20], $0x2800  }
0x33: {  	[sflag:s20] =	ssyncset.done $0x0  }
0x34: {  	[sflag:s20] =	ssyncadd.s32 $0xFFFFD800  }
0x35: {  	[spmem:s13] =	stream.linear.scatter [tilespmem:s19], [sflag:$0x3], $0x2800, $0x38;
	[tilespmem:$0x1E800] =	vst v63  }
0x36: {  	_ =	swait.ge [sflag:s20], $0x2800  }
0x37: {  	[sflag:s20] =	ssyncset.done $0x0  }
0x38: {  	[sflag:s20] =	ssyncadd.s32 $0xFFFFD800  }
0x39: {  	[spmem:s14] =	stream.linear.scatter [tilespmem:s19], [sflag:$0x3], $0x2800, $0x38;
	[tilespmem:$0x1E800] =	vst v63  }
0x3a: {  	_ =	swait.ge [sflag:s20], $0x2800  }
0x3b: {  	[sflag:s20] =	ssyncset.done $0x0  }
0x3c: {  	[sflag:s20] =	ssyncadd.s32 $0xFFFFD800  }
0x3d: {  	s2 =	simm.s32 $0x0;
	[bflag:$0x0] =	sbarrier.arrive $0xFFFF  }
0x3e: {  	[tilespmem:s2], [sflag:$0x3] =	stream.linear.gather [hbm4b:s15+s2], $0x1400, $0x38;
	[tilespmem:$0x1E800] =	vst v63  }
0x3f: {  	_ =	swait.ge [sflag:s20], $0x1400  }
0x40: {  	[sflag:s20] =	ssyncset.done $0x0  }
0x41: {  	[sflag:s20] =	ssyncadd.s32 $0xFFFFEC00  }
0x42: {  	[tilespmem:s21], [sflag:$0x3] =	stream.linear.gather [hbm4b:s16+s2], $0x1400, $0x38;
	[tilespmem:$0x1E800] =	vst v63  }
0x43: {  	_ =	swait.ge [sflag:s20], $0x1400  }
0x44: {  	[sflag:s20] =	ssyncset.done $0x0  }
0x45: {  	[sflag:s20] =	ssyncadd.s32 $0xFFFFEC00  }
0x46: {  	[tilespmem:s19], [sflag:$0x1] =	stream.indirect.gather [hbm4b:s4+s22], $0x80, s2, s22, $0xb8;
	[tilespmem:$0x1E800] =	vst v63  }
0x47: {  	_ = 	snop  }
0x48: {  	[tilespmem:s23], [sflag:$0x2] =	stream.indirect.gather [hbm4b:s4+s22], $0x80, s22, s22, $0xb8;
	[tilespmem:$0x1E800] =	vst v63  }
0x49: {  	_ =	swait.ge [sflag:s24], $0x4000  }
0x4a: {  	[sflag:s24] =	ssyncset.done $0x0  }
0x4b: {  	s31 =	simm.s32 $0x1400;
	[sflag:s24] =	ssyncadd.s32 $0xFFFFC000  }
0x4c: {  	[spmem:s1] =	stream.indirect.scatter.add.f32 [tilespmem:s19], [sflag:$0x3], $0x80, s31, s22, $0xb8;
	[tilespmem:$0x1E800] =	vst v63  }
0x4d: {  	_ =	swait.ge [sflag:s20], $0x4000  }
0x4e: {  	[sflag:s20] =	ssyncset.done $0x0  }
0x4f: {  	s2 =	simm.s32 $0x100;
	[sflag:s20] =	ssyncadd.s32 $0xFFFFC000  }
0x50: {  	[tilespmem:s19], [sflag:$0x1] =	stream.indirect.gather [hbm4b:s4+s22], $0x80, s2, s22, $0xb8;
	[tilespmem:$0x1E800] =	vst v63  }
0x51: {  	_ =	swait.ge [sflag:s25], $0x4000  }
0x52: {  	[sflag:s25] =	ssyncset.done $0x0  }
0x53: {  	s31 =	simm.s32 $0x1480;
	[sflag:s25] =	ssyncadd.s32 $0xFFFFC000  }
0x54: {  	[spmem:s1] =	stream.indirect.scatter.add.f32 [tilespmem:s23], [sflag:$0x3], $0x80, s31, s22, $0xb8;
	[tilespmem:$0x1E800] =	vst v63  }
0x55: {  	_ =	swait.ge [sflag:s20], $0x4000  }
0x56: {  	[sflag:s20] =	ssyncset.done $0x0  }
0x57: {  	s30 =	simm.s32 $0x400;
	s0 =	simm.s32 $0x180;
	[sflag:s20] =	ssyncadd.s32 $0xFFFFC000  }
.LBB2_4:
0x58: {  	[tilespmem:s23], [sflag:$0x2] =	stream.indirect.gather [hbm4b:s4+s22], $0x80, s0, s22, $0xb8;
	[tilespmem:$0x1E800] =	vst v63  }
0x59: {  	s0 =	smov.u32 s30  }
0x5a: {  	p0 =	sne.s32 s30, $0x4800;
	s30 =	sadd.s32 $0x400, s30;
	_ =	swait.ge [sflag:s24], $0x4000  }
0x5b: {  	s0 =	sshra.s32 s0, $0x2;
	[sflag:s24] =	ssyncset.done $0x0  }
0x5c: {  	s2 =	sadd.s32 $0x1400, s0;
	[sflag:s24] =	ssyncadd.s32 $0xFFFFC000  }
0x5d: {  	[spmem:s1] =	stream.indirect.scatter.add.f32 [tilespmem:s19], [sflag:$0x3], $0x80, s2, s22, $0xb8;
	[tilespmem:$0x1E800] =	vst v63  }
0x5e: {  	_ =	swait.ge [sflag:s20], $0x4000  }
0x5f: {  	[sflag:s20] =	ssyncset.done $0x0  }
0x60: {  	s2 =	sadd.s32 $0x100, s0;
	[sflag:s20] =	ssyncadd.s32 $0xFFFFC000  }
0x61: {  	[tilespmem:s19], [sflag:$0x1] =	stream.indirect.gather [hbm4b:s4+s22], $0x80, s2, s22, $0xb8;
	[tilespmem:$0x1E800] =	vst v63  }
0x62: {  	_ =	swait.ge [sflag:s25], $0x4000  }
0x63: {  	[sflag:s25] =	ssyncset.done $0x0  }
.Ltmp1:
0x64: {  	s2 =	sadd.s32 $0x1480, s0;
	[sflag:s25] =	ssyncadd.s32 $0xFFFFC000;
	(pc) =	sbr.rel @p0 .LBB2_4-.Ltmp1, $4  }
0x65: {  	[spmem:s1] =	stream.indirect.scatter.add.f32 [tilespmem:s23], [sflag:$0x3], $0x80, s2, s22, $0xb8;
	[tilespmem:$0x1E800] =	vst v63  }
0x66: {  	_ =	swait.ge [sflag:s20], $0x4000  }
0x67: {  	[sflag:s20] =	ssyncset.done $0x0  }
0x68: {  	s0 =	sadd.s32 $0x180, s0;
	[sflag:s20] =	ssyncadd.s32 $0xFFFFC000  }
0x69: {  	[tilespmem:s23], [sflag:$0x2] =	stream.indirect.gather [hbm4b:s4+s22], $0x80, s0, s22, $0xb8;
	[tilespmem:$0x1E800] =	vst v63  }
0x6a: {  	_ =	swait.ge [sflag:s24], $0x4000  }
0x6b: {  	[sflag:s24] =	ssyncset.done $0x0  }
0x6c: {  	[sflag:s24] =	ssyncadd.s32 $0xFFFFC000  }
0x6d: {  	[spmem:s1] =	stream.indirect.scatter.add.f32 [tilespmem:s19], [sflag:$0x3], $0x80, s26, s22, $0xb8;
	[tilespmem:$0x1E800] =	vst v63  }
0x6e: {  	_ =	swait.ge [sflag:s20], $0x4000  }
0x6f: {  	[sflag:s20] =	ssyncset.done $0x0  }
0x70: {  	[sflag:s20] =	ssyncadd.s32 $0xFFFFC000  }
0x71: {  	_ =	swait.ge [sflag:s25], $0x4000  }
0x72: {  	[sflag:s25] =	ssyncset.done $0x0  }
0x73: {  	[sflag:s25] =	ssyncadd.s32 $0xFFFFC000  }
0x74: {  	[spmem:s1] =	stream.indirect.scatter.add.f32 [tilespmem:s23], [sflag:$0x3], $0x80, s28, s22, $0xb8;
	[tilespmem:$0x1E800] =	vst v63  }
0x75: {  	_ =	swait.ge [sflag:s20], $0x4000  }
0x76: {  	[sflag:s20] =	ssyncset.done $0x0  }
0x77: {  	s2 =	simm.s32 $0x0;
	[sflag:s20] =	ssyncadd.s32 $0xFFFFC000  }
0x78: {  	[tilespmem:s2], [sflag:$0x3] =	stream.linear.gather [hbm4b:s17+s2], $0x1400, $0x38;
	[tilespmem:$0x1E800] =	vst v63  }
0x79: {  	_ =	swait.ge [sflag:s20], $0x1400  }
0x7a: {  	[sflag:s20] =	ssyncset.done $0x0  }
0x7b: {  	[sflag:s20] =	ssyncadd.s32 $0xFFFFEC00  }
0x7c: {  	[tilespmem:s21], [sflag:$0x3] =	stream.linear.gather [hbm4b:s18+s2], $0x1400, $0x38;
	[tilespmem:$0x1E800] =	vst v63  }
0x7d: {  	_ =	swait.ge [sflag:s20], $0x1400  }
0x7e: {  	[sflag:s20] =	ssyncset.done $0x0  }
0x7f: {  	[sflag:s20] =	ssyncadd.s32 $0xFFFFEC00  }
0x80: {  	[tilespmem:s19], [sflag:$0x1] =	stream.indirect.gather [hbm4b:s4+s22], $0x80, s2, s22, $0xb8;
	[tilespmem:$0x1E800] =	vst v63  }
0x81: {  	_ = 	snop  }
0x82: {  	[tilespmem:s23], [sflag:$0x2] =	stream.indirect.gather [hbm4b:s4+s22], $0x80, s22, s22, $0xb8;
	[tilespmem:$0x1E800] =	vst v63  }
0x83: {  	_ =	swait.ge [sflag:s24], $0x4000  }
0x84: {  	[sflag:s24] =	ssyncset.done $0x0  }
0x85: {  	s31 =	simm.s32 $0x1400;
	[sflag:s24] =	ssyncadd.s32 $0xFFFFC000  }
0x86: {  	[spmem:s1] =	stream.indirect.scatter.add.f32 [tilespmem:s19], [sflag:$0x3], $0x80, s31, s22, $0xb8;
	[tilespmem:$0x1E800] =	vst v63  }
0x87: {  	_ =	swait.ge [sflag:s20], $0x4000  }
0x88: {  	[sflag:s20] =	ssyncset.done $0x0  }
0x89: {  	s2 =	simm.s32 $0x100;
	[sflag:s20] =	ssyncadd.s32 $0xFFFFC000  }
0x8a: {  	[tilespmem:s19], [sflag:$0x1] =	stream.indirect.gather [hbm4b:s4+s22], $0x80, s2, s22, $0xb8;
	[tilespmem:$0x1E800] =	vst v63  }
0x8b: {  	_ =	swait.ge [sflag:s25], $0x4000  }
0x8c: {  	[sflag:s25] =	ssyncset.done $0x0  }
0x8d: {  	s31 =	simm.s32 $0x1480;
	[sflag:s25] =	ssyncadd.s32 $0xFFFFC000  }
0x8e: {  	[spmem:s1] =	stream.indirect.scatter.add.f32 [tilespmem:s23], [sflag:$0x3], $0x80, s31, s22, $0xb8;
	[tilespmem:$0x1E800] =	vst v63  }
0x8f: {  	_ =	swait.ge [sflag:s20], $0x4000  }
0x90: {  	[sflag:s20] =	ssyncset.done $0x0  }
0x91: {  	s30 =	simm.s32 $0x400;
	s0 =	simm.s32 $0x180;
	[sflag:s20] =	ssyncadd.s32 $0xFFFFC000  }
.LBB2_6:
0x92: {  	[tilespmem:s23], [sflag:$0x2] =	stream.indirect.gather [hbm4b:s4+s22], $0x80, s0, s22, $0xb8;
	[tilespmem:$0x1E800] =	vst v63  }
0x93: {  	s0 =	smov.u32 s30  }
0x94: {  	p0 =	sne.s32 s30, $0x4800;
	s30 =	sadd.s32 $0x400, s30;
	_ =	swait.ge [sflag:s24], $0x4000  }
0x95: {  	s0 =	sshra.s32 s0, $0x2;
	[sflag:s24] =	ssyncset.done $0x0  }
0x96: {  	s2 =	sadd.s32 $0x1400, s0;
	[sflag:s24] =	ssyncadd.s32 $0xFFFFC000  }
0x97: {  	[spmem:s1] =	stream.indirect.scatter.add.f32 [tilespmem:s19], [sflag:$0x3], $0x80, s2, s22, $0xb8;
	[tilespmem:$0x1E800] =	vst v63  }
0x98: {  	_ =	swait.ge [sflag:s20], $0x4000  }
0x99: {  	[sflag:s20] =	ssyncset.done $0x0  }
0x9a: {  	s2 =	sadd.s32 $0x100, s0;
	[sflag:s20] =	ssyncadd.s32 $0xFFFFC000  }
0x9b: {  	[tilespmem:s19], [sflag:$0x1] =	stream.indirect.gather [hbm4b:s4+s22], $0x80, s2, s22, $0xb8;
	[tilespmem:$0x1E800] =	vst v63  }
0x9c: {  	_ =	swait.ge [sflag:s25], $0x4000  }
0x9d: {  	[sflag:s25] =	ssyncset.done $0x0  }
.Ltmp2:
0x9e: {  	s2 =	sadd.s32 $0x1480, s0;
	[sflag:s25] =	ssyncadd.s32 $0xFFFFC000;
	(pc) =	sbr.rel @p0 .LBB2_6-.Ltmp2, $4  }
0x9f: {  	[spmem:s1] =	stream.indirect.scatter.add.f32 [tilespmem:s23], [sflag:$0x3], $0x80, s2, s22, $0xb8;
	[tilespmem:$0x1E800] =	vst v63  }
0xa0: {  	_ =	swait.ge [sflag:s20], $0x4000  }
0xa1: {  	[sflag:s20] =	ssyncset.done $0x0  }
0xa2: {  	s0 =	sadd.s32 $0x180, s0;
	[sflag:s20] =	ssyncadd.s32 $0xFFFFC000  }
0xa3: {  	[tilespmem:s23], [sflag:$0x2] =	stream.indirect.gather [hbm4b:s4+s22], $0x80, s0, s22, $0xb8;
	[tilespmem:$0x1E800] =	vst v63  }
0xa4: {  	_ =	swait.ge [sflag:s24], $0x4000  }
0xa5: {  	[sflag:s24] =	ssyncset.done $0x0  }
0xa6: {  	[sflag:s24] =	ssyncadd.s32 $0xFFFFC000  }
0xa7: {  	[spmem:s1] =	stream.indirect.scatter.add.f32 [tilespmem:s19], [sflag:$0x3], $0x80, s26, s22, $0xb8;
	[tilespmem:$0x1E800] =	vst v63  }
0xa8: {  	_ =	swait.ge [sflag:s20], $0x4000  }
0xa9: {  	[sflag:s20] =	ssyncset.done $0x0  }
0xaa: {  	[sflag:s20] =	ssyncadd.s32 $0xFFFFC000  }
0xab: {  	_ =	swait.ge [sflag:s25], $0x4000  }
0xac: {  	[sflag:s25] =	ssyncset.done $0x0  }
0xad: {  	[sflag:s25] =	ssyncadd.s32 $0xFFFFC000  }
0xae: {  	[spmem:s1] =	stream.indirect.scatter.add.f32 [tilespmem:s23], [sflag:$0x3], $0x80, s28, s22, $0xb8;
	[tilespmem:$0x1E800] =	vst v63  }
0xaf: {  	s31 =	stileid.u32;
	_ =	swait.ge [sflag:s20], $0x4000  }
0xb0: {  	s2 =	sshrl.u32 s5, $0x3;
	s29 =	sadd.s32 $0x1, s29;
	[sflag:s20] =	ssyncset.done $0x0  }
0xb1: {  	s0 =	sshll.u32 s31, $0x6;
	p0 =	sne.s32 s29, s7;
	[sflag:s20] =	ssyncadd.s32 $0xFFFFC000  }
.Ltmp3:
0xb2: {  	s0 =	sor.u32 $0x1C03, s0;
	[bflag:$0x0] =	sbarrier.arrive $0xFFFF;
	(pc) =	sbr.rel @p0 .LBB2_1-.Ltmp3, $4  }
0xb3: {  	[hbm:s6], [sflag:s0] =	dma.local [spmem:s2], $0x2800  }
0xb4: {  	_ =	swait.ge [sflag:s20], $0x2800  }
0xb5: {  	[sflag:s20] =	ssyncset.done $0x0  }
0xb6: {  	[sflag:s20] =	ssyncadd.s32 $0xFFFFD800  }
0xb7: {  	_ =	sfence.sel $0x180000  }
0xb8: {  	[bflag:$0x0] =	sbarrier.arrive $0xFFFF  }
0xb9: {  	_ =	strace $0x9000004D  }
0xba: {  	s0 =	stileid.u32;
	[bflag:$0x2] =	sbarrier.arrive $0xFFFF  }
0xbb: {  	p0 =	sne.s32 s0, $0x0;
	s0 =	rddreg [dreg:$0x2]  }
0xbc: {  	s0 =	sadd.s32 @!p0 $0x100000, s0  }
0xbd: {  	[sflag:s0] =	ssyncadd.tile.s32 @!p0 $0x1;
	_ =	shalt  }
.Lfunc_end2:
_tile_overlayer_lowered:
.L_overlay_start_2:
0xbe: {  	(tag) =	ssettag $0x2  }
0xbf: {  	s0 =	rddreg [dreg:$0x0];
	s2 =	stileid.u32  }
0xc0: {  	s1 =	rddreg [dreg:$0x1];
	p0 =	sne.s32 s2, $0x0  }
0xc1: {  	s3 =	rddreg [dreg:$0x2];
	[bflag:$0x3] =	sbarrier.arrive $0xFFFF;
	s2 =	simm.s32 @!p0 $0x1C03  }
0xc2: {  	[timem:s3], [sflag:s2] =	dma.local @!p0 [hbm:s0], s1  }
0xc3: {  	s0 =	simm.s32 @!p0 $0x3  }
0xc4: {  	_ =	swait.ge @!p0 [sflag:s0], s1  }
0xc5: {  	s1 =	ssub.s32 @!p0 $0x0, s1;
	[sflag:s0] =	ssyncset.done @!p0 $0x0  }
0xc6: {  	[sflag:s0] =	ssyncadd.s32 @!p0 s1  }
0xc7: {  	[bflag:$0x3] =	sbarrier.arrive $0xFFFF  }
0xc8: {  	_ =	shalt  }

</sc_bundles>
